<compile_context>
chip_gen: v7x
topology: tpu7x:2x2x1
jax: 0.10.2.dev20260603
libtpu: 0.0.44.dev20260713+nightly
codegen_flags: <defaults>
</compile_context>

<pallas_src>
import functools

import jax
import jax.numpy as jnp
from jax import lax
from jax.experimental import pallas as pl
from jax.experimental.pallas import tpu as pltpu, tpu_sc as plsc

B, T, D = 4, 2048, 1024
S = 64
A = 20
STRIDE = 30
L = 16
NC, NS = 2, 16
NW = NC * NS
CHUNKS = D // L
ROWS = 32

SC_SPANS = 32

_mesh = plsc.VectorSubcoreMesh(core_axis_name="c", subcore_axis_name="s")


@functools.partial(
    pl.kernel,
    out_type=jax.ShapeDtypeStruct((SC_SPANS * D,), jnp.float32),
    mesh=_mesh,
    compiler_params=pltpu.CompilerParams(needs_layout_passes=False),
    scratch_types=[
        pltpu.VMEM((ROWS, D), jnp.float32),
        pltpu.VMEM((D,), jnp.float32),
        pltpu.VMEM((1,), jnp.float32),
        pltpu.VMEM((D,), jnp.float32),
        pltpu.SemaphoreType.DMA,
    ],
)
def _span_pool_sc(x_hbm, w_hbm, b_hbm, out_hbm, xbuf, wbuf, bbuf, obuf, sem):
    wid = lax.axis_index("s") * NC + lax.axis_index("c")
    s_idx = wid

    tok0 = s_idx * STRIDE
    row0 = pl.multiple_of(tok0 & ~7, 8)
    cp = pltpu.async_copy(x_hbm.at[pl.ds(row0, ROWS)], xbuf, sem)

    pltpu.sync_copy(w_hbm, wbuf)
    pltpu.sync_copy(b_hbm, bbuf)
    bvec = plsc.load_gather(bbuf, [jnp.zeros((L,), jnp.int32)])

    cp.wait()
    shift = tok0 & 7

    def score_body(c, accs):
        off = pl.multiple_of(c * L, L)
        wv = wbuf[pl.ds(off, L)]
        return tuple(accs[a] + xbuf[shift + a, pl.ds(off, L)] * wv
                     for a in range(A))

    accs = lax.fori_loop(
        0, CHUNKS, score_body,
        tuple(jnp.zeros((L,), jnp.float32) for _ in range(A)))

    svecs = [jnp.maximum(jnp.broadcast_to(jnp.sum(accs[a]), (L,)) + bvec, 0.0)
             for a in range(A)]

    m = svecs[0]
    for a in range(1, A):
        m = jnp.maximum(m, svecs[a])
    evecs = [jnp.exp(svecs[a] - m) for a in range(A)]
    denom = evecs[0]
    for a in range(1, A):
        denom = denom + evecs[a]
    inv = 1.0 / denom
    pvecs = [evecs[a] * inv for a in range(A)]

    def pool_body(c, _):
        off = pl.multiple_of(c * L, L)
        acc = pvecs[0] * xbuf[shift, pl.ds(off, L)]
        for a in range(1, A):
            acc = acc + pvecs[a] * xbuf[shift + a, pl.ds(off, L)]
        obuf[pl.ds(off, L)] = acc
        return 0

    lax.fori_loop(0, CHUNKS, pool_body, 0)

    pltpu.sync_copy(obuf, out_hbm.at[pl.ds(s_idx * D, D)])


HALF_TOK = 960
HALF_S = 32


def _span_pool_tc_body(x_ref, w_ref, b_ref, out_ref):
    xb = x_ref[0]
    s = jnp.sum(xb * w_ref[...][:, 0][None, :], axis=1, keepdims=True)
    s = jnp.maximum(s + b_ref[0], 0.0)

    r = lax.broadcasted_iota(jnp.int32, (HALF_TOK, 1), 0)
    pos = r - (r // STRIDE) * STRIDE
    valid = (pos < A).astype(jnp.float32)

    sm = jnp.where(pos < A, s, -1e30)
    mx = jnp.max(sm)
    e = jnp.exp(jnp.maximum(sm - mx, -60.0)) * valid

    gi = lax.broadcasted_iota(jnp.int32, (HALF_S, HALF_TOK), 0)
    ri = lax.broadcasted_iota(jnp.int32, (HALF_S, HALF_TOK), 1)
    GT = (ri // STRIDE == gi).astype(jnp.float32)
    ri2 = lax.broadcasted_iota(jnp.int32, (HALF_TOK, HALF_S), 0)
    gi2 = lax.broadcasted_iota(jnp.int32, (HALF_TOK, HALF_S), 1)
    G = (ri2 // STRIDE == gi2).astype(jnp.float32)

    ge = jnp.dot(GT, e, preferred_element_type=jnp.float32)
    denom = jnp.dot(G, ge, preferred_element_type=jnp.float32)
    p = e / denom

    out_ref[0] = jnp.dot(GT.astype(jnp.bfloat16),
                         (p * xb).astype(jnp.bfloat16),
                         preferred_element_type=jnp.float32)


_span_pool_tc = pl.pallas_call(
    _span_pool_tc_body,
    grid=(7,),
    in_specs=[
        pl.BlockSpec((1, HALF_TOK, D), lambda i: ((i + 1) // 2, (i + 1) % 2, 0)),
        pl.BlockSpec((D, 1), lambda i: (0, 0)),
        pl.BlockSpec(memory_space=pltpu.SMEM),
    ],
    out_specs=pl.BlockSpec((1, HALF_S, D),
                           lambda i: ((i + 1) // 2, (i + 1) % 2, 0)),
    out_shape=jax.ShapeDtypeStruct((B, S, D), jnp.float32),
)


def kernel(input, W, b):
    x2 = input.reshape(B * T, D)
    w_flat = W.reshape(D)
    sc_flat = _span_pool_sc(x2, w_flat, b)
    tc_out = _span_pool_tc(input, W, b)
    return lax.dynamic_update_slice(
        tc_out, sc_flat.reshape(1, SC_SPANS, D), (0, 0, 0))

# --- scband reference (transcript-rebuilt; emitter-appended) ---
"""Pipeline reference for scband-attention-54082228191673 (READ-ONLY COPY).

The authoritative reference and input builder live on the scoring server;
editing this copy changes nothing except your own understanding.
"""

import jax, jax.numpy as jnp
import numpy as np

MAX_ARG_SPAN = 30
MAX_TOKENS = 2048
NUM_SPANS = 64
START = jnp.asarray(np.arange(NUM_SPANS) * 30, dtype=jnp.int32)
END = START + 19


def setup_inputs(seed: int = 0):
    key = jax.random.key(seed)
    k1, k2 = jax.random.split(key, 2)
    x = jax.random.normal(k1, (4, 2048, 1024), dtype=jnp.float32)
    W = jax.random.normal(k2, (1024, 1), dtype=jnp.float32) * 0.03
    b = jnp.zeros((1,), dtype=jnp.float32)
    return {'input': x, 'W': W, 'b': b}


def reference(input, W, b):
    x = input
    # span_indices: [num_spans, max_arg_span], clipped to max_tokens-1
    span_indices = jnp.minimum(jnp.arange(MAX_ARG_SPAN, dtype=jnp.int32)[None, :] + START[:, None], MAX_TOKENS - 1)
    # gather span token embeddings: [B, S, A, d]
    span_emb = jnp.take(x, span_indices, axis=1)
    # head scores: Dense(1, relu) over tokens -> [B, T, 1]
    head_scores = jax.nn.relu(jnp.matmul(x, W) + b)
    span_width = END - START + 1  # [S]
    # sequence mask [S, A]
    mask = (jnp.arange(MAX_ARG_SPAN, dtype=jnp.int32)[None, :] < span_width[:, None]).astype(jnp.float32)
    log_mask = jnp.log(mask)
    # gather head scores over span windows: [B, S, A, 1] + broadcast log mask
    span_head = jnp.take(head_scores, span_indices, axis=1) + log_mask[None, :, :, None]
    span_head = jax.nn.softmax(span_head, axis=2)
    out = jnp.sum(span_emb * span_head, axis=2)  # [B, S, d]
    return out

if __name__ == "__main__":
    import jax
    _d = setup_inputs()
    print(jax.jit(kernel)(*tuple(_d.values())))

</pallas_src>

<mosaic_0001>
#map = affine_map<(d0, d1) -> (0, 0)>
#map1 = affine_map<(d0, d1) -> (0)>
module attributes {stable_mosaic.version = 14 : i64} {
  func.func @_span_pool_sc(%arg0: i32, %arg1: i32, %arg2: memref<8192x1024xf32, #tpu.memory_space<hbm>>, %arg3: memref<1024xf32, #tpu.memory_space<hbm>>, %arg4: memref<1xf32, #tpu.memory_space<hbm>>, %arg5: memref<32768xf32, #tpu.memory_space<hbm>>, %arg6: memref<32x1024xf32, #tpu.memory_space<vmem>>, %arg7: memref<1024xf32, #tpu.memory_space<vmem>>, %arg8: memref<1xf32, #tpu.memory_space<vmem>>, %arg9: memref<1024xf32, #tpu.memory_space<vmem>>, %arg10: memref<!tpu.dma_semaphore, #tpu.memory_space<semaphore_mem>>) attributes {dimension_semantics = [#tpu.dimension_semantics<core_parallel>, #tpu.dimension_semantics<subcore_parallel>], iteration_bounds = array<i64: 2, 16>, scalar_prefetch = 0 : i64, scratch_operands = 5 : i64, tpu.core_type = #tpu.core_type<sc_vector_subcore>, window_params = [{transform_indices = #map}, {transform_indices = #map1}, {transform_indices = #map1}, {transform_indices = #map1}]} {
    %mul3A = arith.constant 2 : i32
    %mul3A_0 = arith.muli %arg1, %mul3A : i32
    %add3A = arith.addi %mul3A_0, %arg0 : i32
    %mul3A_1 = arith.constant 30 : i32
    %mul3A_2 = arith.muli %add3A, %mul3A_1 : i32
    %and3A = arith.constant -8 : i32
    %and3A_3 = arith.andi %mul3A_2, %and3A : i32
    %multiple_of3A = tpu.assume_multiple %and3A_3, 8 : i32
    %dma_start3A = arith.constant 0 : i32
    %dma_start3A_4 = tpu.memref_slice %arg2[%multiple_of3A, %dma_start3A] : memref<8192x1024xf32, #tpu.memory_space<hbm>> -> memref<32x1024xf32, #tpu.memory_space<hbm>>
    %dma_start3A_5 = arith.constant 0 : i32
    %dma_start3A_6 = tpu.memref_slice %arg2[%multiple_of3A, %dma_start3A_5] : memref<8192x1024xf32, #tpu.memory_space<hbm>> -> memref<32x1024xf32, #tpu.memory_space<hbm>>
    tpu.enqueue_dma source(%dma_start3A_6 : memref<32x1024xf32, #tpu.memory_space<hbm>>) target(%arg6 : memref<32x1024xf32, #tpu.memory_space<vmem>>) target_semaphore(%arg10 : memref<!tpu.dma_semaphore, #tpu.memory_space<semaphore_mem>>)
    "tpu.region"() ({
      %run_scoped3A = tpu.sem_alloc : memref<!tpu.dma_semaphore, #tpu.memory_space<semaphore_mem>>
      tpu.enqueue_dma source(%arg3 : memref<1024xf32, #tpu.memory_space<hbm>>) target(%arg7 : memref<1024xf32, #tpu.memory_space<vmem>>) target_semaphore(%run_scoped3A : memref<!tpu.dma_semaphore, #tpu.memory_space<semaphore_mem>>)
      tpu.wait_dma2 semaphore(%run_scoped3A : memref<!tpu.dma_semaphore, #tpu.memory_space<semaphore_mem>>) src(%arg3 : memref<1024xf32, #tpu.memory_space<hbm>>) dst(%arg7 : memref<1024xf32, #tpu.memory_space<vmem>>)
      tpu.yield
    }) : () -> ()
    "tpu.region"() ({
      %run_scoped3A = tpu.sem_alloc : memref<!tpu.dma_semaphore, #tpu.memory_space<semaphore_mem>>
      tpu.enqueue_dma source(%arg4 : memref<1xf32, #tpu.memory_space<hbm>>) target(%arg8 : memref<1xf32, #tpu.memory_space<vmem>>) target_semaphore(%run_scoped3A : memref<!tpu.dma_semaphore, #tpu.memory_space<semaphore_mem>>)
      tpu.wait_dma2 semaphore(%run_scoped3A : memref<!tpu.dma_semaphore, #tpu.memory_space<semaphore_mem>>) src(%arg4 : memref<1xf32, #tpu.memory_space<hbm>>) dst(%arg8 : memref<1xf32, #tpu.memory_space<vmem>>)
      tpu.yield
    }) : () -> ()
    %broadcast_in_dim3A = arith.constant 0 : i32
    %broadcast_in_dim3A_7 = vector.broadcast %broadcast_in_dim3A : i32 to vector<16xi32>
    %gather3A = tpu.vector_load_idx %arg8[%broadcast_in_dim3A_7] : memref<1xf32, #tpu.memory_space<vmem>>[vector<16xi32>], vector<16xf32>,
    %dma_wait3A = arith.constant 0 : i32
    %dma_wait3A_8 = tpu.memref_slice %arg2[%multiple_of3A, %dma_wait3A] : memref<8192x1024xf32, #tpu.memory_space<hbm>> -> memref<32x1024xf32, #tpu.memory_space<hbm>>
    %dma_wait3A_9 = arith.constant 0 : i32
    %dma_wait3A_10 = tpu.memref_slice %arg2[%multiple_of3A, %dma_wait3A_9] : memref<8192x1024xf32, #tpu.memory_space<hbm>> -> memref<32x1024xf32, #tpu.memory_space<hbm>>
    tpu.wait_dma2 semaphore(%arg10 : memref<!tpu.dma_semaphore, #tpu.memory_space<semaphore_mem>>) src(%dma_wait3A_10 : memref<32x1024xf32, #tpu.memory_space<hbm>>) dst(%arg6 : memref<32x1024xf32, #tpu.memory_space<vmem>>)
    %and3A_11 = arith.constant 7 : i32
    %and3A_12 = arith.andi %mul3A_2, %and3A_11 : i32
    %broadcast_in_dim3A_13 = arith.constant 0.000000e+00 : f32
    %broadcast_in_dim3A_14 = vector.broadcast %broadcast_in_dim3A_13 : f32 to vector<16xf32>
    %broadcast_in_dim3A_15 = arith.constant 0.000000e+00 : f32
    %broadcast_in_dim3A_16 = vector.broadcast %broadcast_in_dim3A_15 : f32 to vector<16xf32>
    %broadcast_in_dim3A_17 = arith.constant 0.000000e+00 : f32
    %broadcast_in_dim3A_18 = vector.broadcast %broadcast_in_dim3A_17 : f32 to vector<16xf32>
    %broadcast_in_dim3A_19 = arith.constant 0.000000e+00 : f32
    %broadcast_in_dim3A_20 = vector.broadcast %broadcast_in_dim3A_19 : f32 to vector<16xf32>
    %broadcast_in_dim3A_21 = arith.constant 0.000000e+00 : f32
    %broadcast_in_dim3A_22 = vector.broadcast %broadcast_in_dim3A_21 : f32 to vector<16xf32>
    %broadcast_in_dim3A_23 = arith.constant 0.000000e+00 : f32
    %broadcast_in_dim3A_24 = vector.broadcast %broadcast_in_dim3A_23 : f32 to vector<16xf32>
    %broadcast_in_dim3A_25 = arith.constant 0.000000e+00 : f32
    %broadcast_in_dim3A_26 = vector.broadcast %broadcast_in_dim3A_25 : f32 to vector<16xf32>
    %broadcast_in_dim3A_27 = arith.constant 0.000000e+00 : f32
    %broadcast_in_dim3A_28 = vector.broadcast %broadcast_in_dim3A_27 : f32 to vector<16xf32>
    %broadcast_in_dim3A_29 = arith.constant 0.000000e+00 : f32
    %broadcast_in_dim3A_30 = vector.broadcast %broadcast_in_dim3A_29 : f32 to vector<16xf32>
    %broadcast_in_dim3A_31 = arith.constant 0.000000e+00 : f32
    %broadcast_in_dim3A_32 = vector.broadcast %broadcast_in_dim3A_31 : f32 to vector<16xf32>
    %broadcast_in_dim3A_33 = arith.constant 0.000000e+00 : f32
    %broadcast_in_dim3A_34 = vector.broadcast %broadcast_in_dim3A_33 : f32 to vector<16xf32>
    %broadcast_in_dim3A_35 = arith.constant 0.000000e+00 : f32
    %broadcast_in_dim3A_36 = vector.broadcast %broadcast_in_dim3A_35 : f32 to vector<16xf32>
    %broadcast_in_dim3A_37 = arith.constant 0.000000e+00 : f32
    %broadcast_in_dim3A_38 = vector.broadcast %broadcast_in_dim3A_37 : f32 to vector<16xf32>
    %broadcast_in_dim3A_39 = arith.constant 0.000000e+00 : f32
    %broadcast_in_dim3A_40 = vector.broadcast %broadcast_in_dim3A_39 : f32 to vector<16xf32>
    %broadcast_in_dim3A_41 = arith.constant 0.000000e+00 : f32
    %broadcast_in_dim3A_42 = vector.broadcast %broadcast_in_dim3A_41 : f32 to vector<16xf32>
    %broadcast_in_dim3A_43 = arith.constant 0.000000e+00 : f32
    %broadcast_in_dim3A_44 = vector.broadcast %broadcast_in_dim3A_43 : f32 to vector<16xf32>
    %broadcast_in_dim3A_45 = arith.constant 0.000000e+00 : f32
    %broadcast_in_dim3A_46 = vector.broadcast %broadcast_in_dim3A_45 : f32 to vector<16xf32>
    %broadcast_in_dim3A_47 = arith.constant 0.000000e+00 : f32
    %broadcast_in_dim3A_48 = vector.broadcast %broadcast_in_dim3A_47 : f32 to vector<16xf32>
    %broadcast_in_dim3A_49 = arith.constant 0.000000e+00 : f32
    %broadcast_in_dim3A_50 = vector.broadcast %broadcast_in_dim3A_49 : f32 to vector<16xf32>
    %broadcast_in_dim3A_51 = arith.constant 0.000000e+00 : f32
    %broadcast_in_dim3A_52 = vector.broadcast %broadcast_in_dim3A_51 : f32 to vector<16xf32>
    %scan3A = arith.constant 0 : i32
    %scan3A_53 = arith.constant 64 : i32
    %scan3A_54 = arith.addi %scan3A, %scan3A_53 : i32
    %scan3A_55 = arith.constant 1 : i32
    %scan3A_56:20 = scf.for %scan3A_343 = %scan3A to %scan3A_54 step %scan3A_55 iter_args(%scan3A_344 = %broadcast_in_dim3A_14, %scan3A_345 = %broadcast_in_dim3A_16, %scan3A_346 = %broadcast_in_dim3A_18, %scan3A_347 = %broadcast_in_dim3A_20, %scan3A_348 = %broadcast_in_dim3A_22, %scan3A_349 = %broadcast_in_dim3A_24, %scan3A_350 = %broadcast_in_dim3A_26, %scan3A_351 = %broadcast_in_dim3A_28, %scan3A_352 = %broadcast_in_dim3A_30, %scan3A_353 = %broadcast_in_dim3A_32, %scan3A_354 = %broadcast_in_dim3A_34, %scan3A_355 = %broadcast_in_dim3A_36, %scan3A_356 = %broadcast_in_dim3A_38, %scan3A_357 = %broadcast_in_dim3A_40, %scan3A_358 = %broadcast_in_dim3A_42, %scan3A_359 = %broadcast_in_dim3A_44, %scan3A_360 = %broadcast_in_dim3A_46, %scan3A_361 = %broadcast_in_dim3A_48, %scan3A_362 = %broadcast_in_dim3A_50, %scan3A_363 = %broadcast_in_dim3A_52) -> (vector<16xf32>, vector<16xf32>, vector<16xf32>, vector<16xf32>, vector<16xf32>, vector<16xf32>, vector<16xf32>, vector<16xf32>, vector<16xf32>, vector<16xf32>, vector<16xf32>, vector<16xf32>, vector<16xf32>, vector<16xf32>, vector<16xf32>, vector<16xf32>, vector<16xf32>, vector<16xf32>, vector<16xf32>, vector<16xf32>)  : i32 {
      %mul3A_364 = arith.constant 16 : i32
      %mul3A_365 = arith.muli %scan3A_343, %mul3A_364 : i32
      %multiple_of3A_366 = tpu.assume_multiple %mul3A_365, 16 : i32
      %get3A = arith.index_cast %multiple_of3A_366 : i32 to index
      %get3A_367 = tpu.vector_load %arg7[%get3A] {strides = array<i32>} : memref<1024xf32, #tpu.memory_space<vmem>>, vector<16xf32>,
      %add3A_368 = arith.constant 0 : i32
      %add3A_369 = arith.addi %and3A_12, %add3A_368 : i32
      %get3A_370 = arith.index_cast %add3A_369 : i32 to index
      %get3A_371 = arith.index_cast %multiple_of3A_366 : i32 to index
      %get3A_372 = tpu.vector_load %arg6[%get3A_370, %get3A_371] {strides = array<i32>} : memref<32x1024xf32, #tpu.memory_space<vmem>>, vector<16xf32>,
      %mul3A_373 = arith.mulf %get3A_372, %get3A_367 : vector<16xf32>
      %add3A_374 = arith.addf %scan3A_344, %mul3A_373 : vector<16xf32>
      %add3A_375 = arith.constant 1 : i32
      %add3A_376 = arith.addi %and3A_12, %add3A_375 : i32
      %get3A_377 = arith.index_cast %add3A_376 : i32 to index
      %get3A_378 = arith.index_cast %multiple_of3A_366 : i32 to index
      %get3A_379 = tpu.vector_load %arg6[%get3A_377, %get3A_378] {strides = array<i32>} : memref<32x1024xf32, #tpu.memory_space<vmem>>, vector<16xf32>,
      %mul3A_380 = arith.mulf %get3A_379, %get3A_367 : vector<16xf32>
      %add3A_381 = arith.addf %scan3A_345, %mul3A_380 : vector<16xf32>
      %add3A_382 = arith.constant 2 : i32
      %add3A_383 = arith.addi %and3A_12, %add3A_382 : i32
      %get3A_384 = arith.index_cast %add3A_383 : i32 to index
      %get3A_385 = arith.index_cast %multiple_of3A_366 : i32 to index
      %get3A_386 = tpu.vector_load %arg6[%get3A_384, %get3A_385] {strides = array<i32>} : memref<32x1024xf32, #tpu.memory_space<vmem>>, vector<16xf32>,
      %mul3A_387 = arith.mulf %get3A_386, %get3A_367 : vector<16xf32>
      %add3A_388 = arith.addf %scan3A_346, %mul3A_387 : vector<16xf32>
      %add3A_389 = arith.constant 3 : i32
      %add3A_390 = arith.addi %and3A_12, %add3A_389 : i32
      %get3A_391 = arith.index_cast %add3A_390 : i32 to index
      %get3A_392 = arith.index_cast %multiple_of3A_366 : i32 to index
      %get3A_393 = tpu.vector_load %arg6[%get3A_391, %get3A_392] {strides = array<i32>} : memref<32x1024xf32, #tpu.memory_space<vmem>>, vector<16xf32>,
      %mul3A_394 = arith.mulf %get3A_393, %get3A_367 : vector<16xf32>
      %add3A_395 = arith.addf %scan3A_347, %mul3A_394 : vector<16xf32>
      %add3A_396 = arith.constant 4 : i32
      %add3A_397 = arith.addi %and3A_12, %add3A_396 : i32
      %get3A_398 = arith.index_cast %add3A_397 : i32 to index
      %get3A_399 = arith.index_cast %multiple_of3A_366 : i32 to index
      %get3A_400 = tpu.vector_load %arg6[%get3A_398, %get3A_399] {strides = array<i32>} : memref<32x1024xf32, #tpu.memory_space<vmem>>, vector<16xf32>,
      %mul3A_401 = arith.mulf %get3A_400, %get3A_367 : vector<16xf32>
      %add3A_402 = arith.addf %scan3A_348, %mul3A_401 : vector<16xf32>
      %add3A_403 = arith.constant 5 : i32
      %add3A_404 = arith.addi %and3A_12, %add3A_403 : i32
      %get3A_405 = arith.index_cast %add3A_404 : i32 to index
      %get3A_406 = arith.index_cast %multiple_of3A_366 : i32 to index
      %get3A_407 = tpu.vector_load %arg6[%get3A_405, %get3A_406] {strides = array<i32>} : memref<32x1024xf32, #tpu.memory_space<vmem>>, vector<16xf32>,
      %mul3A_408 = arith.mulf %get3A_407, %get3A_367 : vector<16xf32>
      %add3A_409 = arith.addf %scan3A_349, %mul3A_408 : vector<16xf32>
      %add3A_410 = arith.constant 6 : i32
      %add3A_411 = arith.addi %and3A_12, %add3A_410 : i32
      %get3A_412 = arith.index_cast %add3A_411 : i32 to index
      %get3A_413 = arith.index_cast %multiple_of3A_366 : i32 to index
      %get3A_414 = tpu.vector_load %arg6[%get3A_412, %get3A_413] {strides = array<i32>} : memref<32x1024xf32, #tpu.memory_space<vmem>>, vector<16xf32>,
      %mul3A_415 = arith.mulf %get3A_414, %get3A_367 : vector<16xf32>
      %add3A_416 = arith.addf %scan3A_350, %mul3A_415 : vector<16xf32>
      %add3A_417 = arith.constant 7 : i32
      %add3A_418 = arith.addi %and3A_12, %add3A_417 : i32
      %get3A_419 = arith.index_cast %add3A_418 : i32 to index
      %get3A_420 = arith.index_cast %multiple_of3A_366 : i32 to index
      %get3A_421 = tpu.vector_load %arg6[%get3A_419, %get3A_420] {strides = array<i32>} : memref<32x1024xf32, #tpu.memory_space<vmem>>, vector<16xf32>,
      %mul3A_422 = arith.mulf %get3A_421, %get3A_367 : vector<16xf32>
      %add3A_423 = arith.addf %scan3A_351, %mul3A_422 : vector<16xf32>
      %add3A_424 = arith.constant 8 : i32
      %add3A_425 = arith.addi %and3A_12, %add3A_424 : i32
      %get3A_426 = arith.index_cast %add3A_425 : i32 to index
      %get3A_427 = arith.index_cast %multiple_of3A_366 : i32 to index
      %get3A_428 = tpu.vector_load %arg6[%get3A_426, %get3A_427] {strides = array<i32>} : memref<32x1024xf32, #tpu.memory_space<vmem>>, vector<16xf32>,
      %mul3A_429 = arith.mulf %get3A_428, %get3A_367 : vector<16xf32>
      %add3A_430 = arith.addf %scan3A_352, %mul3A_429 : vector<16xf32>
      %add3A_431 = arith.constant 9 : i32
      %add3A_432 = arith.addi %and3A_12, %add3A_431 : i32
      %get3A_433 = arith.index_cast %add3A_432 : i32 to index
      %get3A_434 = arith.index_cast %multiple_of3A_366 : i32 to index
      %get3A_435 = tpu.vector_load %arg6[%get3A_433, %get3A_434] {strides = array<i32>} : memref<32x1024xf32, #tpu.memory_space<vmem>>, vector<16xf32>,
      %mul3A_436 = arith.mulf %get3A_435, %get3A_367 : vector<16xf32>
      %add3A_437 = arith.addf %scan3A_353, %mul3A_436 : vector<16xf32>
      %add3A_438 = arith.constant 10 : i32
      %add3A_439 = arith.addi %and3A_12, %add3A_438 : i32
      %get3A_440 = arith.index_cast %add3A_439 : i32 to index
      %get3A_441 = arith.index_cast %multiple_of3A_366 : i32 to index
      %get3A_442 = tpu.vector_load %arg6[%get3A_440, %get3A_441] {strides = array<i32>} : memref<32x1024xf32, #tpu.memory_space<vmem>>, vector<16xf32>,
      %mul3A_443 = arith.mulf %get3A_442, %get3A_367 : vector<16xf32>
      %add3A_444 = arith.addf %scan3A_354, %mul3A_443 : vector<16xf32>
      %add3A_445 = arith.constant 11 : i32
      %add3A_446 = arith.addi %and3A_12, %add3A_445 : i32
      %get3A_447 = arith.index_cast %add3A_446 : i32 to index
      %get3A_448 = arith.index_cast %multiple_of3A_366 : i32 to index
      %get3A_449 = tpu.vector_load %arg6[%get3A_447, %get3A_448] {strides = array<i32>} : memref<32x1024xf32, #tpu.memory_space<vmem>>, vector<16xf32>,
      %mul3A_450 = arith.mulf %get3A_449, %get3A_367 : vector<16xf32>
      %add3A_451 = arith.addf %scan3A_355, %mul3A_450 : vector<16xf32>
      %add3A_452 = arith.constant 12 : i32
      %add3A_453 = arith.addi %and3A_12, %add3A_452 : i32
      %get3A_454 = arith.index_cast %add3A_453 : i32 to index
      %get3A_455 = arith.index_cast %multiple_of3A_366 : i32 to index
      %get3A_456 = tpu.vector_load %arg6[%get3A_454, %get3A_455] {strides = array<i32>} : memref<32x1024xf32, #tpu.memory_space<vmem>>, vector<16xf32>,
      %mul3A_457 = arith.mulf %get3A_456, %get3A_367 : vector<16xf32>
      %add3A_458 = arith.addf %scan3A_356, %mul3A_457 : vector<16xf32>
      %add3A_459 = arith.constant 13 : i32
      %add3A_460 = arith.addi %and3A_12, %add3A_459 : i32
      %get3A_461 = arith.index_cast %add3A_460 : i32 to index
      %get3A_462 = arith.index_cast %multiple_of3A_366 : i32 to index
      %get3A_463 = tpu.vector_load %arg6[%get3A_461, %get3A_462] {strides = array<i32>} : memref<32x1024xf32, #tpu.memory_space<vmem>>, vector<16xf32>,
      %mul3A_464 = arith.mulf %get3A_463, %get3A_367 : vector<16xf32>
      %add3A_465 = arith.addf %scan3A_357, %mul3A_464 : vector<16xf32>
      %add3A_466 = arith.constant 14 : i32
      %add3A_467 = arith.addi %and3A_12, %add3A_466 : i32
      %get3A_468 = arith.index_cast %add3A_467 : i32 to index
      %get3A_469 = arith.index_cast %multiple_of3A_366 : i32 to index
      %get3A_470 = tpu.vector_load %arg6[%get3A_468, %get3A_469] {strides = array<i32>} : memref<32x1024xf32, #tpu.memory_space<vmem>>, vector<16xf32>,
      %mul3A_471 = arith.mulf %get3A_470, %get3A_367 : vector<16xf32>
      %add3A_472 = arith.addf %scan3A_358, %mul3A_471 : vector<16xf32>
      %add3A_473 = arith.constant 15 : i32
      %add3A_474 = arith.addi %and3A_12, %add3A_473 : i32
      %get3A_475 = arith.index_cast %add3A_474 : i32 to index
      %get3A_476 = arith.index_cast %multiple_of3A_366 : i32 to index
      %get3A_477 = tpu.vector_load %arg6[%get3A_475, %get3A_476] {strides = array<i32>} : memref<32x1024xf32, #tpu.memory_space<vmem>>, vector<16xf32>,
      %mul3A_478 = arith.mulf %get3A_477, %get3A_367 : vector<16xf32>
      %add3A_479 = arith.addf %scan3A_359, %mul3A_478 : vector<16xf32>
      %add3A_480 = arith.constant 16 : i32
      %add3A_481 = arith.addi %and3A_12, %add3A_480 : i32
      %get3A_482 = arith.index_cast %add3A_481 : i32 to index
      %get3A_483 = arith.index_cast %multiple_of3A_366 : i32 to index
      %get3A_484 = tpu.vector_load %arg6[%get3A_482, %get3A_483] {strides = array<i32>} : memref<32x1024xf32, #tpu.memory_space<vmem>>, vector<16xf32>,
      %mul3A_485 = arith.mulf %get3A_484, %get3A_367 : vector<16xf32>
      %add3A_486 = arith.addf %scan3A_360, %mul3A_485 : vector<16xf32>
      %add3A_487 = arith.constant 17 : i32
      %add3A_488 = arith.addi %and3A_12, %add3A_487 : i32
      %get3A_489 = arith.index_cast %add3A_488 : i32 to index
      %get3A_490 = arith.index_cast %multiple_of3A_366 : i32 to index
      %get3A_491 = tpu.vector_load %arg6[%get3A_489, %get3A_490] {strides = array<i32>} : memref<32x1024xf32, #tpu.memory_space<vmem>>, vector<16xf32>,
      %mul3A_492 = arith.mulf %get3A_491, %get3A_367 : vector<16xf32>
      %add3A_493 = arith.addf %scan3A_361, %mul3A_492 : vector<16xf32>
      %add3A_494 = arith.constant 18 : i32
      %add3A_495 = arith.addi %and3A_12, %add3A_494 : i32
      %get3A_496 = arith.index_cast %add3A_495 : i32 to index
      %get3A_497 = arith.index_cast %multiple_of3A_366 : i32 to index
      %get3A_498 = tpu.vector_load %arg6[%get3A_496, %get3A_497] {strides = array<i32>} : memref<32x1024xf32, #tpu.memory_space<vmem>>, vector<16xf32>,
      %mul3A_499 = arith.mulf %get3A_498, %get3A_367 : vector<16xf32>
      %add3A_500 = arith.addf %scan3A_362, %mul3A_499 : vector<16xf32>
      %add3A_501 = arith.constant 19 : i32
      %add3A_502 = arith.addi %and3A_12, %add3A_501 : i32
      %get3A_503 = arith.index_cast %add3A_502 : i32 to index
      %get3A_504 = arith.index_cast %multiple_of3A_366 : i32 to index
      %get3A_505 = tpu.vector_load %arg6[%get3A_503, %get3A_504] {strides = array<i32>} : memref<32x1024xf32, #tpu.memory_space<vmem>>, vector<16xf32>,
      %mul3A_506 = arith.mulf %get3A_505, %get3A_367 : vector<16xf32>
      %add3A_507 = arith.addf %scan3A_363, %mul3A_506 : vector<16xf32>
      scf.yield %add3A_374, %add3A_381, %add3A_388, %add3A_395, %add3A_402, %add3A_409, %add3A_416, %add3A_423, %add3A_430, %add3A_437, %add3A_444, %add3A_451, %add3A_458, %add3A_465, %add3A_472, %add3A_479, %add3A_486, %add3A_493, %add3A_500, %add3A_507 : vector<16xf32>, vector<16xf32>, vector<16xf32>, vector<16xf32>, vector<16xf32>, vector<16xf32>, vector<16xf32>, vector<16xf32>, vector<16xf32>, vector<16xf32>, vector<16xf32>, vector<16xf32>, vector<16xf32>, vector<16xf32>, vector<16xf32>, vector<16xf32>, vector<16xf32>, vector<16xf32>, vector<16xf32>, vector<16xf32>
    }
    %scan3A_57 = arith.constant 64 : i32
    %reduce_sum3A = arith.constant true
    %reduce_sum3A_58 = vector.broadcast %reduce_sum3A : i1 to vector<16xi1>
    %reduce_sum3A_59 = tpu.scan <sum>, %scan3A_56#0 masked %reduce_sum3A_58 : vector<16xf32>, vector<16xi1> -> vector<16xf32>
    %reduce_sum3A_60 = vector.extract %reduce_sum3A_59[15] : f32 from vector<16xf32>
    %broadcast_in_dim3A_61 = vector.broadcast %reduce_sum3A_60 : f32 to vector<16xf32>
    %add3A_62 = arith.addf %broadcast_in_dim3A_61, %gather3A : vector<16xf32>
    %max3A = arith.constant 0.000000e+00 : f32
    %max3A_63 = vector.broadcast %max3A : f32 to vector<16xf32>
    %max3A_64 = arith.maximumf %add3A_62, %max3A_63 : vector<16xf32>
    %reduce_sum3A_65 = arith.constant true
    %reduce_sum3A_66 = vector.broadcast %reduce_sum3A_65 : i1 to vector<16xi1>
    %reduce_sum3A_67 = tpu.scan <sum>, %scan3A_56#1 masked %reduce_sum3A_66 : vector<16xf32>, vector<16xi1> -> vector<16xf32>
    %reduce_sum3A_68 = vector.extract %reduce_sum3A_67[15] : f32 from vector<16xf32>
    %broadcast_in_dim3A_69 = vector.broadcast %reduce_sum3A_68 : f32 to vector<16xf32>
    %add3A_70 = arith.addf %broadcast_in_dim3A_69, %gather3A : vector<16xf32>
    %max3A_71 = arith.constant 0.000000e+00 : f32
    %max3A_72 = vector.broadcast %max3A_71 : f32 to vector<16xf32>
    %max3A_73 = arith.maximumf %add3A_70, %max3A_72 : vector<16xf32>
    %reduce_sum3A_74 = arith.constant true
    %reduce_sum3A_75 = vector.broadcast %reduce_sum3A_74 : i1 to vector<16xi1>
    %reduce_sum3A_76 = tpu.scan <sum>, %scan3A_56#2 masked %reduce_sum3A_75 : vector<16xf32>, vector<16xi1> -> vector<16xf32>
    %reduce_sum3A_77 = vector.extract %reduce_sum3A_76[15] : f32 from vector<16xf32>
    %broadcast_in_dim3A_78 = vector.broadcast %reduce_sum3A_77 : f32 to vector<16xf32>
    %add3A_79 = arith.addf %broadcast_in_dim3A_78, %gather3A : vector<16xf32>
    %max3A_80 = arith.constant 0.000000e+00 : f32
    %max3A_81 = vector.broadcast %max3A_80 : f32 to vector<16xf32>
    %max3A_82 = arith.maximumf %add3A_79, %max3A_81 : vector<16xf32>
    %reduce_sum3A_83 = arith.constant true
    %reduce_sum3A_84 = vector.broadcast %reduce_sum3A_83 : i1 to vector<16xi1>
    %reduce_sum3A_85 = tpu.scan <sum>, %scan3A_56#3 masked %reduce_sum3A_84 : vector<16xf32>, vector<16xi1> -> vector<16xf32>
    %reduce_sum3A_86 = vector.extract %reduce_sum3A_85[15] : f32 from vector<16xf32>
    %broadcast_in_dim3A_87 = vector.broadcast %reduce_sum3A_86 : f32 to vector<16xf32>
    %add3A_88 = arith.addf %broadcast_in_dim3A_87, %gather3A : vector<16xf32>
    %max3A_89 = arith.constant 0.000000e+00 : f32
    %max3A_90 = vector.broadcast %max3A_89 : f32 to vector<16xf32>
    %max3A_91 = arith.maximumf %add3A_88, %max3A_90 : vector<16xf32>
    %reduce_sum3A_92 = arith.constant true
    %reduce_sum3A_93 = vector.broadcast %reduce_sum3A_92 : i1 to vector<16xi1>
    %reduce_sum3A_94 = tpu.scan <sum>, %scan3A_56#4 masked %reduce_sum3A_93 : vector<16xf32>, vector<16xi1> -> vector<16xf32>
    %reduce_sum3A_95 = vector.extract %reduce_sum3A_94[15] : f32 from vector<16xf32>
    %broadcast_in_dim3A_96 = vector.broadcast %reduce_sum3A_95 : f32 to vector<16xf32>
    %add3A_97 = arith.addf %broadcast_in_dim3A_96, %gather3A : vector<16xf32>
    %max3A_98 = arith.constant 0.000000e+00 : f32
    %max3A_99 = vector.broadcast %max3A_98 : f32 to vector<16xf32>
    %max3A_100 = arith.maximumf %add3A_97, %max3A_99 : vector<16xf32>
    %reduce_sum3A_101 = arith.constant true
    %reduce_sum3A_102 = vector.broadcast %reduce_sum3A_101 : i1 to vector<16xi1>
    %reduce_sum3A_103 = tpu.scan <sum>, %scan3A_56#5 masked %reduce_sum3A_102 : vector<16xf32>, vector<16xi1> -> vector<16xf32>
    %reduce_sum3A_104 = vector.extract %reduce_sum3A_103[15] : f32 from vector<16xf32>
    %broadcast_in_dim3A_105 = vector.broadcast %reduce_sum3A_104 : f32 to vector<16xf32>
    %add3A_106 = arith.addf %broadcast_in_dim3A_105, %gather3A : vector<16xf32>
    %max3A_107 = arith.constant 0.000000e+00 : f32
    %max3A_108 = vector.broadcast %max3A_107 : f32 to vector<16xf32>
    %max3A_109 = arith.maximumf %add3A_106, %max3A_108 : vector<16xf32>
    %reduce_sum3A_110 = arith.constant true
    %reduce_sum3A_111 = vector.broadcast %reduce_sum3A_110 : i1 to vector<16xi1>
    %reduce_sum3A_112 = tpu.scan <sum>, %scan3A_56#6 masked %reduce_sum3A_111 : vector<16xf32>, vector<16xi1> -> vector<16xf32>
    %reduce_sum3A_113 = vector.extract %reduce_sum3A_112[15] : f32 from vector<16xf32>
    %broadcast_in_dim3A_114 = vector.broadcast %reduce_sum3A_113 : f32 to vector<16xf32>
    %add3A_115 = arith.addf %broadcast_in_dim3A_114, %gather3A : vector<16xf32>
    %max3A_116 = arith.constant 0.000000e+00 : f32
    %max3A_117 = vector.broadcast %max3A_116 : f32 to vector<16xf32>
    %max3A_118 = arith.maximumf %add3A_115, %max3A_117 : vector<16xf32>
    %reduce_sum3A_119 = arith.constant true
    %reduce_sum3A_120 = vector.broadcast %reduce_sum3A_119 : i1 to vector<16xi1>
    %reduce_sum3A_121 = tpu.scan <sum>, %scan3A_56#7 masked %reduce_sum3A_120 : vector<16xf32>, vector<16xi1> -> vector<16xf32>
    %reduce_sum3A_122 = vector.extract %reduce_sum3A_121[15] : f32 from vector<16xf32>
    %broadcast_in_dim3A_123 = vector.broadcast %reduce_sum3A_122 : f32 to vector<16xf32>
    %add3A_124 = arith.addf %broadcast_in_dim3A_123, %gather3A : vector<16xf32>
    %max3A_125 = arith.constant 0.000000e+00 : f32
    %max3A_126 = vector.broadcast %max3A_125 : f32 to vector<16xf32>
    %max3A_127 = arith.maximumf %add3A_124, %max3A_126 : vector<16xf32>
    %reduce_sum3A_128 = arith.constant true
    %reduce_sum3A_129 = vector.broadcast %reduce_sum3A_128 : i1 to vector<16xi1>
    %reduce_sum3A_130 = tpu.scan <sum>, %scan3A_56#8 masked %reduce_sum3A_129 : vector<16xf32>, vector<16xi1> -> vector<16xf32>
    %reduce_sum3A_131 = vector.extract %reduce_sum3A_130[15] : f32 from vector<16xf32>
    %broadcast_in_dim3A_132 = vector.broadcast %reduce_sum3A_131 : f32 to vector<16xf32>
    %add3A_133 = arith.addf %broadcast_in_dim3A_132, %gather3A : vector<16xf32>
    %max3A_134 = arith.constant 0.000000e+00 : f32
    %max3A_135 = vector.broadcast %max3A_134 : f32 to vector<16xf32>
    %max3A_136 = arith.maximumf %add3A_133, %max3A_135 : vector<16xf32>
    %reduce_sum3A_137 = arith.constant true
    %reduce_sum3A_138 = vector.broadcast %reduce_sum3A_137 : i1 to vector<16xi1>
    %reduce_sum3A_139 = tpu.scan <sum>, %scan3A_56#9 masked %reduce_sum3A_138 : vector<16xf32>, vector<16xi1> -> vector<16xf32>
    %reduce_sum3A_140 = vector.extract %reduce_sum3A_139[15] : f32 from vector<16xf32>
    %broadcast_in_dim3A_141 = vector.broadcast %reduce_sum3A_140 : f32 to vector<16xf32>
    %add3A_142 = arith.addf %broadcast_in_dim3A_141, %gather3A : vector<16xf32>
    %max3A_143 = arith.constant 0.000000e+00 : f32
    %max3A_144 = vector.broadcast %max3A_143 : f32 to vector<16xf32>
    %max3A_145 = arith.maximumf %add3A_142, %max3A_144 : vector<16xf32>
    %reduce_sum3A_146 = arith.constant true
    %reduce_sum3A_147 = vector.broadcast %reduce_sum3A_146 : i1 to vector<16xi1>
    %reduce_sum3A_148 = tpu.scan <sum>, %scan3A_56#10 masked %reduce_sum3A_147 : vector<16xf32>, vector<16xi1> -> vector<16xf32>
    %reduce_sum3A_149 = vector.extract %reduce_sum3A_148[15] : f32 from vector<16xf32>
    %broadcast_in_dim3A_150 = vector.broadcast %reduce_sum3A_149 : f32 to vector<16xf32>
    %add3A_151 = arith.addf %broadcast_in_dim3A_150, %gather3A : vector<16xf32>
    %max3A_152 = arith.constant 0.000000e+00 : f32
    %max3A_153 = vector.broadcast %max3A_152 : f32 to vector<16xf32>
    %max3A_154 = arith.maximumf %add3A_151, %max3A_153 : vector<16xf32>
    %reduce_sum3A_155 = arith.constant true
    %reduce_sum3A_156 = vector.broadcast %reduce_sum3A_155 : i1 to vector<16xi1>
    %reduce_sum3A_157 = tpu.scan <sum>, %scan3A_56#11 masked %reduce_sum3A_156 : vector<16xf32>, vector<16xi1> -> vector<16xf32>
    %reduce_sum3A_158 = vector.extract %reduce_sum3A_157[15] : f32 from vector<16xf32>
    %broadcast_in_dim3A_159 = vector.broadcast %reduce_sum3A_158 : f32 to vector<16xf32>
    %add3A_160 = arith.addf %broadcast_in_dim3A_159, %gather3A : vector<16xf32>
    %max3A_161 = arith.constant 0.000000e+00 : f32
    %max3A_162 = vector.broadcast %max3A_161 : f32 to vector<16xf32>
    %max3A_163 = arith.maximumf %add3A_160, %max3A_162 : vector<16xf32>
    %reduce_sum3A_164 = arith.constant true
    %reduce_sum3A_165 = vector.broadcast %reduce_sum3A_164 : i1 to vector<16xi1>
    %reduce_sum3A_166 = tpu.scan <sum>, %scan3A_56#12 masked %reduce_sum3A_165 : vector<16xf32>, vector<16xi1> -> vector<16xf32>
    %reduce_sum3A_167 = vector.extract %reduce_sum3A_166[15] : f32 from vector<16xf32>
    %broadcast_in_dim3A_168 = vector.broadcast %reduce_sum3A_167 : f32 to vector<16xf32>
    %add3A_169 = arith.addf %broadcast_in_dim3A_168, %gather3A : vector<16xf32>
    %max3A_170 = arith.constant 0.000000e+00 : f32
    %max3A_171 = vector.broadcast %max3A_170 : f32 to vector<16xf32>
    %max3A_172 = arith.maximumf %add3A_169, %max3A_171 : vector<16xf32>
    %reduce_sum3A_173 = arith.constant true
    %reduce_sum3A_174 = vector.broadcast %reduce_sum3A_173 : i1 to vector<16xi1>
    %reduce_sum3A_175 = tpu.scan <sum>, %scan3A_56#13 masked %reduce_sum3A_174 : vector<16xf32>, vector<16xi1> -> vector<16xf32>
    %reduce_sum3A_176 = vector.extract %reduce_sum3A_175[15] : f32 from vector<16xf32>
    %broadcast_in_dim3A_177 = vector.broadcast %reduce_sum3A_176 : f32 to vector<16xf32>
    %add3A_178 = arith.addf %broadcast_in_dim3A_177, %gather3A : vector<16xf32>
    %max3A_179 = arith.constant 0.000000e+00 : f32
    %max3A_180 = vector.broadcast %max3A_179 : f32 to vector<16xf32>
    %max3A_181 = arith.maximumf %add3A_178, %max3A_180 : vector<16xf32>
    %reduce_sum3A_182 = arith.constant true
    %reduce_sum3A_183 = vector.broadcast %reduce_sum3A_182 : i1 to vector<16xi1>
    %reduce_sum3A_184 = tpu.scan <sum>, %scan3A_56#14 masked %reduce_sum3A_183 : vector<16xf32>, vector<16xi1> -> vector<16xf32>
    %reduce_sum3A_185 = vector.extract %reduce_sum3A_184[15] : f32 from vector<16xf32>
    %broadcast_in_dim3A_186 = vector.broadcast %reduce_sum3A_185 : f32 to vector<16xf32>
    %add3A_187 = arith.addf %broadcast_in_dim3A_186, %gather3A : vector<16xf32>
    %max3A_188 = arith.constant 0.000000e+00 : f32
    %max3A_189 = vector.broadcast %max3A_188 : f32 to vector<16xf32>
    %max3A_190 = arith.maximumf %add3A_187, %max3A_189 : vector<16xf32>
    %reduce_sum3A_191 = arith.constant true
    %reduce_sum3A_192 = vector.broadcast %reduce_sum3A_191 : i1 to vector<16xi1>
    %reduce_sum3A_193 = tpu.scan <sum>, %scan3A_56#15 masked %reduce_sum3A_192 : vector<16xf32>, vector<16xi1> -> vector<16xf32>
    %reduce_sum3A_194 = vector.extract %reduce_sum3A_193[15] : f32 from vector<16xf32>
    %broadcast_in_dim3A_195 = vector.broadcast %reduce_sum3A_194 : f32 to vector<16xf32>
    %add3A_196 = arith.addf %broadcast_in_dim3A_195, %gather3A : vector<16xf32>
    %max3A_197 = arith.constant 0.000000e+00 : f32
    %max3A_198 = vector.broadcast %max3A_197 : f32 to vector<16xf32>
    %max3A_199 = arith.maximumf %add3A_196, %max3A_198 : vector<16xf32>
    %reduce_sum3A_200 = arith.constant true
    %reduce_sum3A_201 = vector.broadcast %reduce_sum3A_200 : i1 to vector<16xi1>
    %reduce_sum3A_202 = tpu.scan <sum>, %scan3A_56#16 masked %reduce_sum3A_201 : vector<16xf32>, vector<16xi1> -> vector<16xf32>
    %reduce_sum3A_203 = vector.extract %reduce_sum3A_202[15] : f32 from vector<16xf32>
    %broadcast_in_dim3A_204 = vector.broadcast %reduce_sum3A_203 : f32 to vector<16xf32>
    %add3A_205 = arith.addf %broadcast_in_dim3A_204, %gather3A : vector<16xf32>
    %max3A_206 = arith.constant 0.000000e+00 : f32
    %max3A_207 = vector.broadcast %max3A_206 : f32 to vector<16xf32>
    %max3A_208 = arith.maximumf %add3A_205, %max3A_207 : vector<16xf32>
    %reduce_sum3A_209 = arith.constant true
    %reduce_sum3A_210 = vector.broadcast %reduce_sum3A_209 : i1 to vector<16xi1>
    %reduce_sum3A_211 = tpu.scan <sum>, %scan3A_56#17 masked %reduce_sum3A_210 : vector<16xf32>, vector<16xi1> -> vector<16xf32>
    %reduce_sum3A_212 = vector.extract %reduce_sum3A_211[15] : f32 from vector<16xf32>
    %broadcast_in_dim3A_213 = vector.broadcast %reduce_sum3A_212 : f32 to vector<16xf32>
    %add3A_214 = arith.addf %broadcast_in_dim3A_213, %gather3A : vector<16xf32>
    %max3A_215 = arith.constant 0.000000e+00 : f32
    %max3A_216 = vector.broadcast %max3A_215 : f32 to vector<16xf32>
    %max3A_217 = arith.maximumf %add3A_214, %max3A_216 : vector<16xf32>
    %reduce_sum3A_218 = arith.constant true
    %reduce_sum3A_219 = vector.broadcast %reduce_sum3A_218 : i1 to vector<16xi1>
    %reduce_sum3A_220 = tpu.scan <sum>, %scan3A_56#18 masked %reduce_sum3A_219 : vector<16xf32>, vector<16xi1> -> vector<16xf32>
    %reduce_sum3A_221 = vector.extract %reduce_sum3A_220[15] : f32 from vector<16xf32>
    %broadcast_in_dim3A_222 = vector.broadcast %reduce_sum3A_221 : f32 to vector<16xf32>
    %add3A_223 = arith.addf %broadcast_in_dim3A_222, %gather3A : vector<16xf32>
    %max3A_224 = arith.constant 0.000000e+00 : f32
    %max3A_225 = vector.broadcast %max3A_224 : f32 to vector<16xf32>
    %max3A_226 = arith.maximumf %add3A_223, %max3A_225 : vector<16xf32>
    %reduce_sum3A_227 = arith.constant true
    %reduce_sum3A_228 = vector.broadcast %reduce_sum3A_227 : i1 to vector<16xi1>
    %reduce_sum3A_229 = tpu.scan <sum>, %scan3A_56#19 masked %reduce_sum3A_228 : vector<16xf32>, vector<16xi1> -> vector<16xf32>
    %reduce_sum3A_230 = vector.extract %reduce_sum3A_229[15] : f32 from vector<16xf32>
    %broadcast_in_dim3A_231 = vector.broadcast %reduce_sum3A_230 : f32 to vector<16xf32>
    %add3A_232 = arith.addf %broadcast_in_dim3A_231, %gather3A : vector<16xf32>
    %max3A_233 = arith.constant 0.000000e+00 : f32
    %max3A_234 = vector.broadcast %max3A_233 : f32 to vector<16xf32>
    %max3A_235 = arith.maximumf %add3A_232, %max3A_234 : vector<16xf32>
    %max3A_236 = arith.maximumf %max3A_64, %max3A_73 : vector<16xf32>
    %max3A_237 = arith.maximumf %max3A_236, %max3A_82 : vector<16xf32>
    %max3A_238 = arith.maximumf %max3A_237, %max3A_91 : vector<16xf32>
    %max3A_239 = arith.maximumf %max3A_238, %max3A_100 : vector<16xf32>
    %max3A_240 = arith.maximumf %max3A_239, %max3A_109 : vector<16xf32>
    %max3A_241 = arith.maximumf %max3A_240, %max3A_118 : vector<16xf32>
    %max3A_242 = arith.maximumf %max3A_241, %max3A_127 : vector<16xf32>
    %max3A_243 = arith.maximumf %max3A_242, %max3A_136 : vector<16xf32>
    %max3A_244 = arith.maximumf %max3A_243, %max3A_145 : vector<16xf32>
    %max3A_245 = arith.maximumf %max3A_244, %max3A_154 : vector<16xf32>
    %max3A_246 = arith.maximumf %max3A_245, %max3A_163 : vector<16xf32>
    %max3A_247 = arith.maximumf %max3A_246, %max3A_172 : vector<16xf32>
    %max3A_248 = arith.maximumf %max3A_247, %max3A_181 : vector<16xf32>
    %max3A_249 = arith.maximumf %max3A_248, %max3A_190 : vector<16xf32>
    %max3A_250 = arith.maximumf %max3A_249, %max3A_199 : vector<16xf32>
    %max3A_251 = arith.maximumf %max3A_250, %max3A_208 : vector<16xf32>
    %max3A_252 = arith.maximumf %max3A_251, %max3A_217 : vector<16xf32>
    %max3A_253 = arith.maximumf %max3A_252, %max3A_226 : vector<16xf32>
    %max3A_254 = arith.maximumf %max3A_253, %max3A_235 : vector<16xf32>
    %sub3A = arith.subf %max3A_64, %max3A_254 : vector<16xf32>
    %exp3A = math.exp %sub3A : vector<16xf32>
    %sub3A_255 = arith.subf %max3A_73, %max3A_254 : vector<16xf32>
    %exp3A_256 = math.exp %sub3A_255 : vector<16xf32>
    %sub3A_257 = arith.subf %max3A_82, %max3A_254 : vector<16xf32>
    %exp3A_258 = math.exp %sub3A_257 : vector<16xf32>
    %sub3A_259 = arith.subf %max3A_91, %max3A_254 : vector<16xf32>
    %exp3A_260 = math.exp %sub3A_259 : vector<16xf32>
    %sub3A_261 = arith.subf %max3A_100, %max3A_254 : vector<16xf32>
    %exp3A_262 = math.exp %sub3A_261 : vector<16xf32>
    %sub3A_263 = arith.subf %max3A_109, %max3A_254 : vector<16xf32>
    %exp3A_264 = math.exp %sub3A_263 : vector<16xf32>
    %sub3A_265 = arith.subf %max3A_118, %max3A_254 : vector<16xf32>
    %exp3A_266 = math.exp %sub3A_265 : vector<16xf32>
    %sub3A_267 = arith.subf %max3A_127, %max3A_254 : vector<16xf32>
    %exp3A_268 = math.exp %sub3A_267 : vector<16xf32>
    %sub3A_269 = arith.subf %max3A_136, %max3A_254 : vector<16xf32>
    %exp3A_270 = math.exp %sub3A_269 : vector<16xf32>
    %sub3A_271 = arith.subf %max3A_145, %max3A_254 : vector<16xf32>
    %exp3A_272 = math.exp %sub3A_271 : vector<16xf32>
    %sub3A_273 = arith.subf %max3A_154, %max3A_254 : vector<16xf32>
    %exp3A_274 = math.exp %sub3A_273 : vector<16xf32>
    %sub3A_275 = arith.subf %max3A_163, %max3A_254 : vector<16xf32>
    %exp3A_276 = math.exp %sub3A_275 : vector<16xf32>
    %sub3A_277 = arith.subf %max3A_172, %max3A_254 : vector<16xf32>
    %exp3A_278 = math.exp %sub3A_277 : vector<16xf32>
    %sub3A_279 = arith.subf %max3A_181, %max3A_254 : vector<16xf32>
    %exp3A_280 = math.exp %sub3A_279 : vector<16xf32>
    %sub3A_281 = arith.subf %max3A_190, %max3A_254 : vector<16xf32>
    %exp3A_282 = math.exp %sub3A_281 : vector<16xf32>
    %sub3A_283 = arith.subf %max3A_199, %max3A_254 : vector<16xf32>
    %exp3A_284 = math.exp %sub3A_283 : vector<16xf32>
    %sub3A_285 = arith.subf %max3A_208, %max3A_254 : vector<16xf32>
    %exp3A_286 = math.exp %sub3A_285 : vector<16xf32>
    %sub3A_287 = arith.subf %max3A_217, %max3A_254 : vector<16xf32>
    %exp3A_288 = math.exp %sub3A_287 : vector<16xf32>
    %sub3A_289 = arith.subf %max3A_226, %max3A_254 : vector<16xf32>
    %exp3A_290 = math.exp %sub3A_289 : vector<16xf32>
    %sub3A_291 = arith.subf %max3A_235, %max3A_254 : vector<16xf32>
    %exp3A_292 = math.exp %sub3A_291 : vector<16xf32>
    %add3A_293 = arith.addf %exp3A, %exp3A_256 : vector<16xf32>
    %add3A_294 = arith.addf %add3A_293, %exp3A_258 : vector<16xf32>
    %add3A_295 = arith.addf %add3A_294, %exp3A_260 : vector<16xf32>
    %add3A_296 = arith.addf %add3A_295, %exp3A_262 : vector<16xf32>
    %add3A_297 = arith.addf %add3A_296, %exp3A_264 : vector<16xf32>
    %add3A_298 = arith.addf %add3A_297, %exp3A_266 : vector<16xf32>
    %add3A_299 = arith.addf %add3A_298, %exp3A_268 : vector<16xf32>
    %add3A_300 = arith.addf %add3A_299, %exp3A_270 : vector<16xf32>
    %add3A_301 = arith.addf %add3A_300, %exp3A_272 : vector<16xf32>
    %add3A_302 = arith.addf %add3A_301, %exp3A_274 : vector<16xf32>
    %add3A_303 = arith.addf %add3A_302, %exp3A_276 : vector<16xf32>
    %add3A_304 = arith.addf %add3A_303, %exp3A_278 : vector<16xf32>
    %add3A_305 = arith.addf %add3A_304, %exp3A_280 : vector<16xf32>
    %add3A_306 = arith.addf %add3A_305, %exp3A_282 : vector<16xf32>
    %add3A_307 = arith.addf %add3A_306, %exp3A_284 : vector<16xf32>
    %add3A_308 = arith.addf %add3A_307, %exp3A_286 : vector<16xf32>
    %add3A_309 = arith.addf %add3A_308, %exp3A_288 : vector<16xf32>
    %add3A_310 = arith.addf %add3A_309, %exp3A_290 : vector<16xf32>
    %add3A_311 = arith.addf %add3A_310, %exp3A_292 : vector<16xf32>
    %div3A = arith.constant 1.000000e+00 : f32
    %div3A_312 = vector.broadcast %div3A : f32 to vector<16xf32>
    %div3A_313 = arith.divf %div3A_312, %add3A_311 : vector<16xf32>
    %mul3A_314 = arith.mulf %exp3A, %div3A_313 : vector<16xf32>
    %mul3A_315 = arith.mulf %exp3A_256, %div3A_313 : vector<16xf32>
    %mul3A_316 = arith.mulf %exp3A_258, %div3A_313 : vector<16xf32>
    %mul3A_317 = arith.mulf %exp3A_260, %div3A_313 : vector<16xf32>
    %mul3A_318 = arith.mulf %exp3A_262, %div3A_313 : vector<16xf32>
    %mul3A_319 = arith.mulf %exp3A_264, %div3A_313 : vector<16xf32>
    %mul3A_320 = arith.mulf %exp3A_266, %div3A_313 : vector<16xf32>
    %mul3A_321 = arith.mulf %exp3A_268, %div3A_313 : vector<16xf32>
    %mul3A_322 = arith.mulf %exp3A_270, %div3A_313 : vector<16xf32>
    %mul3A_323 = arith.mulf %exp3A_272, %div3A_313 : vector<16xf32>
    %mul3A_324 = arith.mulf %exp3A_274, %div3A_313 : vector<16xf32>
    %mul3A_325 = arith.mulf %exp3A_276, %div3A_313 : vector<16xf32>
    %mul3A_326 = arith.mulf %exp3A_278, %div3A_313 : vector<16xf32>
    %mul3A_327 = arith.mulf %exp3A_280, %div3A_313 : vector<16xf32>
    %mul3A_328 = arith.mulf %exp3A_282, %div3A_313 : vector<16xf32>
    %mul3A_329 = arith.mulf %exp3A_284, %div3A_313 : vector<16xf32>
    %mul3A_330 = arith.mulf %exp3A_286, %div3A_313 : vector<16xf32>
    %mul3A_331 = arith.mulf %exp3A_288, %div3A_313 : vector<16xf32>
    %mul3A_332 = arith.mulf %exp3A_290, %div3A_313 : vector<16xf32>
    %mul3A_333 = arith.mulf %exp3A_292, %div3A_313 : vector<16xf32>
    %scan3A_334 = arith.constant 0 : i32
    %scan3A_335 = arith.constant 0 : i32
    %scan3A_336 = arith.constant 64 : i32
    %scan3A_337 = arith.addi %scan3A_335, %scan3A_336 : i32
    %scan3A_338 = arith.constant 1 : i32
    %scan3A_339 = scf.for %scan3A_343 = %scan3A_335 to %scan3A_337 step %scan3A_338 iter_args(%scan3A_344 = %scan3A_334) -> (i32)  : i32 {
      %mul3A_345 = arith.constant 16 : i32
      %mul3A_346 = arith.muli %scan3A_343, %mul3A_345 : i32
      %multiple_of3A_347 = tpu.assume_multiple %mul3A_346, 16 : i32
      %get3A = arith.index_cast %and3A_12 : i32 to index
      %get3A_348 = arith.index_cast %multiple_of3A_347 : i32 to index
      %get3A_349 = tpu.vector_load %arg6[%get3A, %get3A_348] {strides = array<i32>} : memref<32x1024xf32, #tpu.memory_space<vmem>>, vector<16xf32>,
      %mul3A_350 = arith.mulf %mul3A_314, %get3A_349 : vector<16xf32>
      %add3A_351 = arith.constant 1 : i32
      %add3A_352 = arith.addi %and3A_12, %add3A_351 : i32
      %get3A_353 = arith.index_cast %add3A_352 : i32 to index
      %get3A_354 = arith.index_cast %multiple_of3A_347 : i32 to index
      %get3A_355 = tpu.vector_load %arg6[%get3A_353, %get3A_354] {strides = array<i32>} : memref<32x1024xf32, #tpu.memory_space<vmem>>, vector<16xf32>,
      %mul3A_356 = arith.mulf %mul3A_315, %get3A_355 : vector<16xf32>
      %add3A_357 = arith.addf %mul3A_350, %mul3A_356 : vector<16xf32>
      %add3A_358 = arith.constant 2 : i32
      %add3A_359 = arith.addi %and3A_12, %add3A_358 : i32
      %get3A_360 = arith.index_cast %add3A_359 : i32 to index
      %get3A_361 = arith.index_cast %multiple_of3A_347 : i32 to index
      %get3A_362 = tpu.vector_load %arg6[%get3A_360, %get3A_361] {strides = array<i32>} : memref<32x1024xf32, #tpu.memory_space<vmem>>, vector<16xf32>,
      %mul3A_363 = arith.mulf %mul3A_316, %get3A_362 : vector<16xf32>
      %add3A_364 = arith.addf %add3A_357, %mul3A_363 : vector<16xf32>
      %add3A_365 = arith.constant 3 : i32
      %add3A_366 = arith.addi %and3A_12, %add3A_365 : i32
      %get3A_367 = arith.index_cast %add3A_366 : i32 to index
      %get3A_368 = arith.index_cast %multiple_of3A_347 : i32 to index
      %get3A_369 = tpu.vector_load %arg6[%get3A_367, %get3A_368] {strides = array<i32>} : memref<32x1024xf32, #tpu.memory_space<vmem>>, vector<16xf32>,
      %mul3A_370 = arith.mulf %mul3A_317, %get3A_369 : vector<16xf32>
      %add3A_371 = arith.addf %add3A_364, %mul3A_370 : vector<16xf32>
      %add3A_372 = arith.constant 4 : i32
      %add3A_373 = arith.addi %and3A_12, %add3A_372 : i32
      %get3A_374 = arith.index_cast %add3A_373 : i32 to index
      %get3A_375 = arith.index_cast %multiple_of3A_347 : i32 to index
      %get3A_376 = tpu.vector_load %arg6[%get3A_374, %get3A_375] {strides = array<i32>} : memref<32x1024xf32, #tpu.memory_space<vmem>>, vector<16xf32>,
      %mul3A_377 = arith.mulf %mul3A_318, %get3A_376 : vector<16xf32>
      %add3A_378 = arith.addf %add3A_371, %mul3A_377 : vector<16xf32>
      %add3A_379 = arith.constant 5 : i32
      %add3A_380 = arith.addi %and3A_12, %add3A_379 : i32
      %get3A_381 = arith.index_cast %add3A_380 : i32 to index
      %get3A_382 = arith.index_cast %multiple_of3A_347 : i32 to index
      %get3A_383 = tpu.vector_load %arg6[%get3A_381, %get3A_382] {strides = array<i32>} : memref<32x1024xf32, #tpu.memory_space<vmem>>, vector<16xf32>,
      %mul3A_384 = arith.mulf %mul3A_319, %get3A_383 : vector<16xf32>
      %add3A_385 = arith.addf %add3A_378, %mul3A_384 : vector<16xf32>
      %add3A_386 = arith.constant 6 : i32
      %add3A_387 = arith.addi %and3A_12, %add3A_386 : i32
      %get3A_388 = arith.index_cast %add3A_387 : i32 to index
      %get3A_389 = arith.index_cast %multiple_of3A_347 : i32 to index
      %get3A_390 = tpu.vector_load %arg6[%get3A_388, %get3A_389] {strides = array<i32>} : memref<32x1024xf32, #tpu.memory_space<vmem>>, vector<16xf32>,
      %mul3A_391 = arith.mulf %mul3A_320, %get3A_390 : vector<16xf32>
      %add3A_392 = arith.addf %add3A_385, %mul3A_391 : vector<16xf32>
      %add3A_393 = arith.constant 7 : i32
      %add3A_394 = arith.addi %and3A_12, %add3A_393 : i32
      %get3A_395 = arith.index_cast %add3A_394 : i32 to index
      %get3A_396 = arith.index_cast %multiple_of3A_347 : i32 to index
      %get3A_397 = tpu.vector_load %arg6[%get3A_395, %get3A_396] {strides = array<i32>} : memref<32x1024xf32, #tpu.memory_space<vmem>>, vector<16xf32>,
      %mul3A_398 = arith.mulf %mul3A_321, %get3A_397 : vector<16xf32>
      %add3A_399 = arith.addf %add3A_392, %mul3A_398 : vector<16xf32>
      %add3A_400 = arith.constant 8 : i32
      %add3A_401 = arith.addi %and3A_12, %add3A_400 : i32
      %get3A_402 = arith.index_cast %add3A_401 : i32 to index
      %get3A_403 = arith.index_cast %multiple_of3A_347 : i32 to index
      %get3A_404 = tpu.vector_load %arg6[%get3A_402, %get3A_403] {strides = array<i32>} : memref<32x1024xf32, #tpu.memory_space<vmem>>, vector<16xf32>,
      %mul3A_405 = arith.mulf %mul3A_322, %get3A_404 : vector<16xf32>
      %add3A_406 = arith.addf %add3A_399, %mul3A_405 : vector<16xf32>
      %add3A_407 = arith.constant 9 : i32
      %add3A_408 = arith.addi %and3A_12, %add3A_407 : i32
      %get3A_409 = arith.index_cast %add3A_408 : i32 to index
      %get3A_410 = arith.index_cast %multiple_of3A_347 : i32 to index
      %get3A_411 = tpu.vector_load %arg6[%get3A_409, %get3A_410] {strides = array<i32>} : memref<32x1024xf32, #tpu.memory_space<vmem>>, vector<16xf32>,
      %mul3A_412 = arith.mulf %mul3A_323, %get3A_411 : vector<16xf32>
      %add3A_413 = arith.addf %add3A_406, %mul3A_412 : vector<16xf32>
      %add3A_414 = arith.constant 10 : i32
      %add3A_415 = arith.addi %and3A_12, %add3A_414 : i32
      %get3A_416 = arith.index_cast %add3A_415 : i32 to index
      %get3A_417 = arith.index_cast %multiple_of3A_347 : i32 to index
      %get3A_418 = tpu.vector_load %arg6[%get3A_416, %get3A_417] {strides = array<i32>} : memref<32x1024xf32, #tpu.memory_space<vmem>>, vector<16xf32>,
      %mul3A_419 = arith.mulf %mul3A_324, %get3A_418 : vector<16xf32>
      %add3A_420 = arith.addf %add3A_413, %mul3A_419 : vector<16xf32>
      %add3A_421 = arith.constant 11 : i32
      %add3A_422 = arith.addi %and3A_12, %add3A_421 : i32
      %get3A_423 = arith.index_cast %add3A_422 : i32 to index
      %get3A_424 = arith.index_cast %multiple_of3A_347 : i32 to index
      %get3A_425 = tpu.vector_load %arg6[%get3A_423, %get3A_424] {strides = array<i32>} : memref<32x1024xf32, #tpu.memory_space<vmem>>, vector<16xf32>,
      %mul3A_426 = arith.mulf %mul3A_325, %get3A_425 : vector<16xf32>
      %add3A_427 = arith.addf %add3A_420, %mul3A_426 : vector<16xf32>
      %add3A_428 = arith.constant 12 : i32
      %add3A_429 = arith.addi %and3A_12, %add3A_428 : i32
      %get3A_430 = arith.index_cast %add3A_429 : i32 to index
      %get3A_431 = arith.index_cast %multiple_of3A_347 : i32 to index
      %get3A_432 = tpu.vector_load %arg6[%get3A_430, %get3A_431] {strides = array<i32>} : memref<32x1024xf32, #tpu.memory_space<vmem>>, vector<16xf32>,
      %mul3A_433 = arith.mulf %mul3A_326, %get3A_432 : vector<16xf32>
      %add3A_434 = arith.addf %add3A_427, %mul3A_433 : vector<16xf32>
      %add3A_435 = arith.constant 13 : i32
      %add3A_436 = arith.addi %and3A_12, %add3A_435 : i32
      %get3A_437 = arith.index_cast %add3A_436 : i32 to index
      %get3A_438 = arith.index_cast %multiple_of3A_347 : i32 to index
      %get3A_439 = tpu.vector_load %arg6[%get3A_437, %get3A_438] {strides = array<i32>} : memref<32x1024xf32, #tpu.memory_space<vmem>>, vector<16xf32>,
      %mul3A_440 = arith.mulf %mul3A_327, %get3A_439 : vector<16xf32>
      %add3A_441 = arith.addf %add3A_434, %mul3A_440 : vector<16xf32>
      %add3A_442 = arith.constant 14 : i32
      %add3A_443 = arith.addi %and3A_12, %add3A_442 : i32
      %get3A_444 = arith.index_cast %add3A_443 : i32 to index
      %get3A_445 = arith.index_cast %multiple_of3A_347 : i32 to index
      %get3A_446 = tpu.vector_load %arg6[%get3A_444, %get3A_445] {strides = array<i32>} : memref<32x1024xf32, #tpu.memory_space<vmem>>, vector<16xf32>,
      %mul3A_447 = arith.mulf %mul3A_328, %get3A_446 : vector<16xf32>
      %add3A_448 = arith.addf %add3A_441, %mul3A_447 : vector<16xf32>
      %add3A_449 = arith.constant 15 : i32
      %add3A_450 = arith.addi %and3A_12, %add3A_449 : i32
      %get3A_451 = arith.index_cast %add3A_450 : i32 to index
      %get3A_452 = arith.index_cast %multiple_of3A_347 : i32 to index
      %get3A_453 = tpu.vector_load %arg6[%get3A_451, %get3A_452] {strides = array<i32>} : memref<32x1024xf32, #tpu.memory_space<vmem>>, vector<16xf32>,
      %mul3A_454 = arith.mulf %mul3A_329, %get3A_453 : vector<16xf32>
      %add3A_455 = arith.addf %add3A_448, %mul3A_454 : vector<16xf32>
      %add3A_456 = arith.constant 16 : i32
      %add3A_457 = arith.addi %and3A_12, %add3A_456 : i32
      %get3A_458 = arith.index_cast %add3A_457 : i32 to index
      %get3A_459 = arith.index_cast %multiple_of3A_347 : i32 to index
      %get3A_460 = tpu.vector_load %arg6[%get3A_458, %get3A_459] {strides = array<i32>} : memref<32x1024xf32, #tpu.memory_space<vmem>>, vector<16xf32>,
      %mul3A_461 = arith.mulf %mul3A_330, %get3A_460 : vector<16xf32>
      %add3A_462 = arith.addf %add3A_455, %mul3A_461 : vector<16xf32>
      %add3A_463 = arith.constant 17 : i32
      %add3A_464 = arith.addi %and3A_12, %add3A_463 : i32
      %get3A_465 = arith.index_cast %add3A_464 : i32 to index
      %get3A_466 = arith.index_cast %multiple_of3A_347 : i32 to index
      %get3A_467 = tpu.vector_load %arg6[%get3A_465, %get3A_466] {strides = array<i32>} : memref<32x1024xf32, #tpu.memory_space<vmem>>, vector<16xf32>,
      %mul3A_468 = arith.mulf %mul3A_331, %get3A_467 : vector<16xf32>
      %add3A_469 = arith.addf %add3A_462, %mul3A_468 : vector<16xf32>
      %add3A_470 = arith.constant 18 : i32
      %add3A_471 = arith.addi %and3A_12, %add3A_470 : i32
      %get3A_472 = arith.index_cast %add3A_471 : i32 to index
      %get3A_473 = arith.index_cast %multiple_of3A_347 : i32 to index
      %get3A_474 = tpu.vector_load %arg6[%get3A_472, %get3A_473] {strides = array<i32>} : memref<32x1024xf32, #tpu.memory_space<vmem>>, vector<16xf32>,
      %mul3A_475 = arith.mulf %mul3A_332, %get3A_474 : vector<16xf32>
      %add3A_476 = arith.addf %add3A_469, %mul3A_475 : vector<16xf32>
      %add3A_477 = arith.constant 19 : i32
      %add3A_478 = arith.addi %and3A_12, %add3A_477 : i32
      %get3A_479 = arith.index_cast %add3A_478 : i32 to index
      %get3A_480 = arith.index_cast %multiple_of3A_347 : i32 to index
      %get3A_481 = tpu.vector_load %arg6[%get3A_479, %get3A_480] {strides = array<i32>} : memref<32x1024xf32, #tpu.memory_space<vmem>>, vector<16xf32>,
      %mul3A_482 = arith.mulf %mul3A_333, %get3A_481 : vector<16xf32>
      %add3A_483 = arith.addf %add3A_476, %mul3A_482 : vector<16xf32>
      %swap3A = arith.index_cast %multiple_of3A_347 : i32 to index
      %swap3A_484 = tpu.vector_load %arg9[%swap3A] {strides = array<i32>} : memref<1024xf32, #tpu.memory_space<vmem>>, vector<16xf32>,
      tpu.vector_store %arg9[%swap3A], %add3A_483 {strides = array<i32>} : memref<1024xf32, #tpu.memory_space<vmem>>, vector<16xf32>,
      %scan3A_485 = arith.constant 0 : i32
      scf.yield %scan3A_485 : i32
    }
    %scan3A_340 = arith.constant 64 : i32
    %mul3A_341 = arith.constant 1024 : i32
    %mul3A_342 = arith.muli %add3A, %mul3A_341 : i32
    "tpu.region"() ({
      %run_scoped3A = tpu.sem_alloc : memref<!tpu.dma_semaphore, #tpu.memory_space<semaphore_mem>>
      %dma_start3A_343 = tpu.memref_slice %arg5[%mul3A_342] : memref<32768xf32, #tpu.memory_space<hbm>> -> memref<1024xf32, #tpu.memory_space<hbm>>
      %dma_start3A_344 = tpu.memref_slice %arg5[%mul3A_342] : memref<32768xf32, #tpu.memory_space<hbm>> -> memref<1024xf32, #tpu.memory_space<hbm>>
      tpu.enqueue_dma source(%arg9 : memref<1024xf32, #tpu.memory_space<vmem>>) target(%dma_start3A_344 : memref<1024xf32, #tpu.memory_space<hbm>>) target_semaphore(%run_scoped3A : memref<!tpu.dma_semaphore, #tpu.memory_space<semaphore_mem>>)
      %dma_wait3A_345 = tpu.memref_slice %arg5[%mul3A_342] : memref<32768xf32, #tpu.memory_space<hbm>> -> memref<1024xf32, #tpu.memory_space<hbm>>
      %dma_wait3A_346 = tpu.memref_slice %arg5[%mul3A_342] : memref<32768xf32, #tpu.memory_space<hbm>> -> memref<1024xf32, #tpu.memory_space<hbm>>
      tpu.wait_dma2 semaphore(%run_scoped3A : memref<!tpu.dma_semaphore, #tpu.memory_space<semaphore_mem>>) src(%arg9 : memref<1024xf32, #tpu.memory_space<vmem>>) dst(%dma_wait3A_346 : memref<1024xf32, #tpu.memory_space<hbm>>)
      tpu.yield
    }) : () -> ()
    return
  }
}

module attributes {stable_mosaic.version = 14 : i64} {
  func.func @_span_pool_tc_body(%arg0: i32, %arg1: memref<1x960x1024xf32, #tpu.memory_space<vmem>>, %arg2: memref<1024x1xf32, #tpu.memory_space<vmem>>, %arg3: memref<1xf32, #tpu.memory_space<smem>>, %arg4: memref<1x32x1024xf32, #tpu.memory_space<vmem>>) attributes {dimension_semantics = [#tpu.dimension_semantics<arbitrary>], iteration_bounds = array<i64: 7>, scalar_prefetch = 0 : i64, scratch_operands = 0 : i64, tpu.core_type = #tpu.core_type<tc>, window_params = [{transform_indices = @transform_0, window_bounds = array<i64: 1, 960, 1024>}, {pipeline_mode = #tpu.pipeline_mode<synchronous>, transform_indices = @transform_1, window_bounds = array<i64: 1024, 1>}, {transform_indices = @transform_2, window_bounds = array<i64: 1>}, {transform_indices = @transform_3, window_bounds = array<i64: 1, 32, 1024>}]} {
    %get3A = arith.constant 0 : index
    %get3A_0 = arith.constant 0 : index
    %get3A_1 = arith.constant 0 : index
    %get3A_2 = vector.load %arg1[%get3A, %get3A_0, %get3A_1] : memref<1x960x1024xf32, #tpu.memory_space<vmem>>, vector<1x960x1024xf32>
    %get3A_3 = vector.shape_cast %get3A_2 : vector<1x960x1024xf32> to vector<960x1024xf32>
    %get3A_4 = arith.constant 0 : index
    %get3A_5 = arith.constant 0 : index
    %get3A_6 = vector.load %arg2[%get3A_4, %get3A_5] : memref<1024x1xf32, #tpu.memory_space<vmem>>, vector<1024x1xf32>
    %squeeze3A = vector.shape_cast %get3A_6 : vector<1024x1xf32> to vector<1024xf32>
    %broadcast_in_dim3A = vector.shape_cast %squeeze3A : vector<1024xf32> to vector<1x1024xf32>
    %mul3A = vector.broadcast %broadcast_in_dim3A : vector<1x1024xf32> to vector<960x1024xf32>
    %mul3A_7 = arith.mulf %get3A_3, %mul3A : vector<960x1024xf32>
    %reduce_sum3A = arith.constant dense<0.000000e+00> : vector<960xf32>
    %reduce_sum3A_8 = vector.multi_reduction <add>, %mul3A_7, %reduce_sum3A [1] : vector<960x1024xf32> to vector<960xf32>
    %broadcast_in_dim3A_9 = vector.shape_cast %reduce_sum3A_8 : vector<960xf32> to vector<960x1xf32>
    %get3A_10 = arith.constant 0 : index
    %get3A_11 = memref.load %arg3[%get3A_10] : memref<1xf32, #tpu.memory_space<smem>>
    %add3A = vector.broadcast %get3A_11 : f32 to vector<960x1xf32>
    %add3A_12 = arith.addf %broadcast_in_dim3A_9, %add3A : vector<960x1xf32>
    %max3A = arith.constant 0.000000e+00 : f32
    %max3A_13 = vector.broadcast %max3A : f32 to vector<960x1xf32>
    %max3A_14 = arith.maximumf %add3A_12, %max3A_13 : vector<960x1xf32>
    %iota3A = tpu.iota {dimensions = array<i32: 0>} : vector<960x1xi32>
    %jit3A = arith.constant 30 : i32
    %div3A = vector.broadcast %jit3A : i32 to vector<960x1xi32>
    %div3A_15 = arith.divsi %iota3A, %div3A : vector<960x1xi32>
    %sign3A = arith.constant 0 : i32
    %sign3A_16 = vector.broadcast %sign3A : i32 to vector<960x1xi32>
    %sign3A_17 = arith.cmpi sgt, %iota3A, %sign3A_16 : vector<960x1xi32>
    %sign3A_18 = arith.extui %sign3A_17 : vector<960x1xi1> to vector<960x1xi32>
    %sign3A_19 = arith.constant 0 : i32
    %sign3A_20 = vector.broadcast %sign3A_19 : i32 to vector<960x1xi32>
    %sign3A_21 = arith.cmpi slt, %iota3A, %sign3A_20 : vector<960x1xi32>
    %sign3A_22 = arith.extui %sign3A_21 : vector<960x1xi1> to vector<960x1xi32>
    %sign3A_23 = arith.subi %sign3A_18, %sign3A_22 : vector<960x1xi32>
    %sign3A_24 = arith.constant 0 : i32
    %sign3A_25 = arith.cmpi sgt, %jit3A, %sign3A_24 : i32
    %sign3A_26 = arith.extui %sign3A_25 : i1 to i32
    %sign3A_27 = arith.constant 0 : i32
    %sign3A_28 = arith.cmpi slt, %jit3A, %sign3A_27 : i32
    %sign3A_29 = arith.extui %sign3A_28 : i1 to i32
    %sign3A_30 = arith.subi %sign3A_26, %sign3A_29 : i32
    %ne3A = vector.broadcast %sign3A_30 : i32 to vector<960x1xi32>
    %ne3A_31 = arith.cmpi ne, %sign3A_23, %ne3A : vector<960x1xi32>
    %rem3A = vector.broadcast %jit3A : i32 to vector<960x1xi32>
    %rem3A_32 = arith.remsi %iota3A, %rem3A : vector<960x1xi32>
    %ne3A_33 = arith.constant 0 : i32
    %ne3A_34 = vector.broadcast %ne3A_33 : i32 to vector<960x1xi32>
    %ne3A_35 = arith.cmpi ne, %rem3A_32, %ne3A_34 : vector<960x1xi32>
    %and3A = arith.andi %ne3A_31, %ne3A_35 : vector<960x1xi1>
    %sub3A = arith.constant 1 : i32
    %sub3A_36 = vector.broadcast %sub3A : i32 to vector<960x1xi32>
    %sub3A_37 = arith.subi %div3A_15, %sub3A_36 : vector<960x1xi32>
    %select_n3A = arith.select %and3A, %sub3A_37, %div3A_15 : vector<960x1xi1>, vector<960x1xi32>
    %mul3A_38 = arith.constant 30 : i32
    %mul3A_39 = vector.broadcast %mul3A_38 : i32 to vector<960x1xi32>
    %mul3A_40 = arith.muli %select_n3A, %mul3A_39 : vector<960x1xi32>
    %sub3A_41 = arith.subi %iota3A, %mul3A_40 : vector<960x1xi32>
    %lt3A = arith.constant 20 : i32
    %lt3A_42 = vector.broadcast %lt3A : i32 to vector<960x1xi32>
    %lt3A_43 = arith.cmpi slt, %sub3A_41, %lt3A_42 : vector<960x1xi32>
    %convert_element_type3A = arith.extui %lt3A_43 : vector<960x1xi1> to vector<960x1xi32>
    %convert_element_type3A_44 = arith.sitofp %convert_element_type3A : vector<960x1xi32> to vector<960x1xf32>
    %lt3A_45 = arith.constant 20 : i32
    %lt3A_46 = vector.broadcast %lt3A_45 : i32 to vector<960x1xi32>
    %lt3A_47 = arith.cmpi slt, %sub3A_41, %lt3A_46 : vector<960x1xi32>
    %jit3A_48 = arith.constant -1.000000e+30 : f32
    %broadcast_in_dim3A_49 = vector.broadcast %jit3A_48 : f32 to vector<960x1xf32>
    %select_n3A_50 = arith.select %lt3A_47, %max3A_14, %broadcast_in_dim3A_49 : vector<960x1xi1>, vector<960x1xf32>
    %reduce_max3A = vector.shape_cast %select_n3A_50 : vector<960x1xf32> to vector<1x960x1xf32>
    %reduce_max3A_51 = arith.constant dense<0xFF800000> : vector<1xf32>
    %reduce_max3A_52 = vector.multi_reduction <maximumf>, %reduce_max3A, %reduce_max3A_51 [1, 2] : vector<1x960x1xf32> to vector<1xf32>
    %reduce_max3A_53 = vector.shape_cast %reduce_max3A_52 : vector<1xf32> to vector<1x1x1xf32>
    %reduce_max3A_54 = vector.extract %reduce_max3A_53[0, 0, 0] : f32 from vector<1x1x1xf32>
    %sub3A_55 = vector.broadcast %reduce_max3A_54 : f32 to vector<960x1xf32>
    %sub3A_56 = arith.subf %select_n3A_50, %sub3A_55 : vector<960x1xf32>
    %max3A_57 = arith.constant -6.000000e+01 : f32
    %max3A_58 = vector.broadcast %max3A_57 : f32 to vector<960x1xf32>
    %max3A_59 = arith.maximumf %sub3A_56, %max3A_58 : vector<960x1xf32>
    %exp3A = math.exp %max3A_59 : vector<960x1xf32>
    %mul3A_60 = arith.mulf %exp3A, %convert_element_type3A_44 : vector<960x1xf32>
    %iota3A_61 = tpu.iota {dimensions = array<i32: 0>} : vector<32x960xi32>
    %iota3A_62 = tpu.iota {dimensions = array<i32: 1>} : vector<32x960xi32>
    %jit3A_63 = arith.constant 30 : i32
    %div3A_64 = vector.broadcast %jit3A_63 : i32 to vector<32x960xi32>
    %div3A_65 = arith.divsi %iota3A_62, %div3A_64 : vector<32x960xi32>
    %sign3A_66 = arith.constant 0 : i32
    %sign3A_67 = vector.broadcast %sign3A_66 : i32 to vector<32x960xi32>
    %sign3A_68 = arith.cmpi sgt, %iota3A_62, %sign3A_67 : vector<32x960xi32>
    %sign3A_69 = arith.extui %sign3A_68 : vector<32x960xi1> to vector<32x960xi32>
    %sign3A_70 = arith.constant 0 : i32
    %sign3A_71 = vector.broadcast %sign3A_70 : i32 to vector<32x960xi32>
    %sign3A_72 = arith.cmpi slt, %iota3A_62, %sign3A_71 : vector<32x960xi32>
    %sign3A_73 = arith.extui %sign3A_72 : vector<32x960xi1> to vector<32x960xi32>
    %sign3A_74 = arith.subi %sign3A_69, %sign3A_73 : vector<32x960xi32>
    %sign3A_75 = arith.constant 0 : i32
    %sign3A_76 = arith.cmpi sgt, %jit3A_63, %sign3A_75 : i32
    %sign3A_77 = arith.extui %sign3A_76 : i1 to i32
    %sign3A_78 = arith.constant 0 : i32
    %sign3A_79 = arith.cmpi slt, %jit3A_63, %sign3A_78 : i32
    %sign3A_80 = arith.extui %sign3A_79 : i1 to i32
    %sign3A_81 = arith.subi %sign3A_77, %sign3A_80 : i32
    %ne3A_82 = vector.broadcast %sign3A_81 : i32 to vector<32x960xi32>
    %ne3A_83 = arith.cmpi ne, %sign3A_74, %ne3A_82 : vector<32x960xi32>
    %rem3A_84 = vector.broadcast %jit3A_63 : i32 to vector<32x960xi32>
    %rem3A_85 = arith.remsi %iota3A_62, %rem3A_84 : vector<32x960xi32>
    %ne3A_86 = arith.constant 0 : i32
    %ne3A_87 = vector.broadcast %ne3A_86 : i32 to vector<32x960xi32>
    %ne3A_88 = arith.cmpi ne, %rem3A_85, %ne3A_87 : vector<32x960xi32>
    %and3A_89 = arith.andi %ne3A_83, %ne3A_88 : vector<32x960xi1>
    %sub3A_90 = arith.constant 1 : i32
    %sub3A_91 = vector.broadcast %sub3A_90 : i32 to vector<32x960xi32>
    %sub3A_92 = arith.subi %div3A_65, %sub3A_91 : vector<32x960xi32>
    %select_n3A_93 = arith.select %and3A_89, %sub3A_92, %div3A_65 : vector<32x960xi1>, vector<32x960xi32>
    %eq3A = arith.cmpi eq, %select_n3A_93, %iota3A_61 : vector<32x960xi32>
    %convert_element_type3A_94 = arith.extui %eq3A : vector<32x960xi1> to vector<32x960xi32>
    %convert_element_type3A_95 = arith.sitofp %convert_element_type3A_94 : vector<32x960xi32> to vector<32x960xf32>
    %iota3A_96 = tpu.iota {dimensions = array<i32: 0>} : vector<960x32xi32>
    %iota3A_97 = tpu.iota {dimensions = array<i32: 1>} : vector<960x32xi32>
    %jit3A_98 = arith.constant 30 : i32
    %div3A_99 = vector.broadcast %jit3A_98 : i32 to vector<960x32xi32>
    %div3A_100 = arith.divsi %iota3A_96, %div3A_99 : vector<960x32xi32>
    %sign3A_101 = arith.constant 0 : i32
    %sign3A_102 = vector.broadcast %sign3A_101 : i32 to vector<960x32xi32>
    %sign3A_103 = arith.cmpi sgt, %iota3A_96, %sign3A_102 : vector<960x32xi32>
    %sign3A_104 = arith.extui %sign3A_103 : vector<960x32xi1> to vector<960x32xi32>
    %sign3A_105 = arith.constant 0 : i32
    %sign3A_106 = vector.broadcast %sign3A_105 : i32 to vector<960x32xi32>
    %sign3A_107 = arith.cmpi slt, %iota3A_96, %sign3A_106 : vector<960x32xi32>
    %sign3A_108 = arith.extui %sign3A_107 : vector<960x32xi1> to vector<960x32xi32>
    %sign3A_109 = arith.subi %sign3A_104, %sign3A_108 : vector<960x32xi32>
    %sign3A_110 = arith.constant 0 : i32
    %sign3A_111 = arith.cmpi sgt, %jit3A_98, %sign3A_110 : i32
    %sign3A_112 = arith.extui %sign3A_111 : i1 to i32
    %sign3A_113 = arith.constant 0 : i32
    %sign3A_114 = arith.cmpi slt, %jit3A_98, %sign3A_113 : i32
    %sign3A_115 = arith.extui %sign3A_114 : i1 to i32
    %sign3A_116 = arith.subi %sign3A_112, %sign3A_115 : i32
    %ne3A_117 = vector.broadcast %sign3A_116 : i32 to vector<960x32xi32>
    %ne3A_118 = arith.cmpi ne, %sign3A_109, %ne3A_117 : vector<960x32xi32>
    %rem3A_119 = vector.broadcast %jit3A_98 : i32 to vector<960x32xi32>
    %rem3A_120 = arith.remsi %iota3A_96, %rem3A_119 : vector<960x32xi32>
    %ne3A_121 = arith.constant 0 : i32
    %ne3A_122 = vector.broadcast %ne3A_121 : i32 to vector<960x32xi32>
    %ne3A_123 = arith.cmpi ne, %rem3A_120, %ne3A_122 : vector<960x32xi32>
    %and3A_124 = arith.andi %ne3A_118, %ne3A_123 : vector<960x32xi1>
    %sub3A_125 = arith.constant 1 : i32
    %sub3A_126 = vector.broadcast %sub3A_125 : i32 to vector<960x32xi32>
    %sub3A_127 = arith.subi %div3A_100, %sub3A_126 : vector<960x32xi32>
    %select_n3A_128 = arith.select %and3A_124, %sub3A_127, %div3A_100 : vector<960x32xi1>, vector<960x32xi32>
    %eq3A_129 = arith.cmpi eq, %select_n3A_128, %iota3A_97 : vector<960x32xi32>
    %convert_element_type3A_130 = arith.extui %eq3A_129 : vector<960x32xi1> to vector<960x32xi32>
    %convert_element_type3A_131 = arith.sitofp %convert_element_type3A_130 : vector<960x32xi32> to vector<960x32xf32>
    %dot_general3A = arith.constant dense<0.000000e+00> : vector<32x1xf32>
    %dot_general3A_132 = tpu.matmul %convert_element_type3A_95, %mul3A_60, %dot_general3A {dimension_numbers = #tpu.dot_dimension_numbers<[1], [0], [0], [1], [0, 0, 1, 1], [], []>, transpose_lhs_hint = false} : vector<32x960xf32>, vector<960x1xf32>, vector<32x1xf32> -> vector<32x1xf32>
    %dot_general3A_133 = arith.constant dense<0.000000e+00> : vector<960x1xf32>
    %dot_general3A_134 = tpu.matmul %convert_element_type3A_131, %dot_general3A_132, %dot_general3A_133 {dimension_numbers = #tpu.dot_dimension_numbers<[1], [0], [0], [1], [0, 0, 1, 1], [], []>, transpose_lhs_hint = false} : vector<960x32xf32>, vector<32x1xf32>, vector<960x1xf32> -> vector<960x1xf32>
    %div3A_135 = arith.divf %mul3A_60, %dot_general3A_134 : vector<960x1xf32>
    %convert_element_type3A_136 = arith.truncf %convert_element_type3A_95 : vector<32x960xf32> to vector<32x960xbf16>
    %mul3A_137 = vector.broadcast %div3A_135 : vector<960x1xf32> to vector<960x1024xf32>
    %mul3A_138 = arith.mulf %mul3A_137, %get3A_3 : vector<960x1024xf32>
    %convert_element_type3A_139 = arith.truncf %mul3A_138 : vector<960x1024xf32> to vector<960x1024xbf16>
    %dot_general3A_140 = arith.constant dense<0.000000e+00> : vector<32x1024xf32>
    %dot_general3A_141 = tpu.matmul %convert_element_type3A_136, %convert_element_type3A_139, %dot_general3A_140 {dimension_numbers = #tpu.dot_dimension_numbers<[1], [0], [0], [1], [0, 0, 1, 1], [], []>, transpose_lhs_hint = false} : vector<32x960xbf16>, vector<960x1024xbf16>, vector<32x1024xf32> -> vector<32x1024xf32>
    %swap3A = arith.constant 0 : index
    %swap3A_142 = arith.constant 0 : index
    %swap3A_143 = arith.constant 0 : index
    %swap3A_144 = vector.load %arg4[%swap3A, %swap3A_142, %swap3A_143] : memref<1x32x1024xf32, #tpu.memory_space<vmem>>, vector<1x32x1024xf32>
    %swap3A_145 = vector.shape_cast %swap3A_144 : vector<1x32x1024xf32> to vector<32x1024xf32>
    %swap3A_146 = vector.shape_cast %dot_general3A_141 : vector<32x1024xf32> to vector<1x32x1024xf32>
    tpu.vector_store %arg4[%swap3A, %swap3A_142, %swap3A_143], %swap3A_146 {strides = array<i32>} : memref<1x32x1024xf32, #tpu.memory_space<vmem>>, vector<1x32x1024xf32>,
    return
  }
  func.func @transform_0(%arg0: i32) -> (i32, i32, i32) {
    %add3A = arith.constant 1 : i32
    %add3A_0 = arith.addi %arg0, %add3A : i32
    %jit3A = arith.constant 2 : i32
    %div3A = arith.divsi %add3A_0, %jit3A : i32
    %sign3A = arith.constant 0 : i32
    %sign3A_1 = arith.cmpi sgt, %add3A_0, %sign3A : i32
    %sign3A_2 = arith.extui %sign3A_1 : i1 to i32
    %sign3A_3 = arith.constant 0 : i32
    %sign3A_4 = arith.cmpi slt, %add3A_0, %sign3A_3 : i32
    %sign3A_5 = arith.extui %sign3A_4 : i1 to i32
    %sign3A_6 = arith.subi %sign3A_2, %sign3A_5 : i32
    %sign3A_7 = arith.constant 0 : i32
    %sign3A_8 = arith.cmpi sgt, %jit3A, %sign3A_7 : i32
    %sign3A_9 = arith.extui %sign3A_8 : i1 to i32
    %sign3A_10 = arith.constant 0 : i32
    %sign3A_11 = arith.cmpi slt, %jit3A, %sign3A_10 : i32
    %sign3A_12 = arith.extui %sign3A_11 : i1 to i32
    %sign3A_13 = arith.subi %sign3A_9, %sign3A_12 : i32
    %ne3A = arith.cmpi ne, %sign3A_6, %sign3A_13 : i32
    %rem3A = arith.remsi %add3A_0, %jit3A : i32
    %ne3A_14 = arith.constant 0 : i32
    %ne3A_15 = arith.cmpi ne, %rem3A, %ne3A_14 : i32
    %and3A = arith.andi %ne3A, %ne3A_15 : i1
    %sub3A = arith.constant 1 : i32
    %sub3A_16 = arith.subi %div3A, %sub3A : i32
    %select_n3A = arith.select %and3A, %sub3A_16, %div3A : i32
    %add3A_17 = arith.constant 1 : i32
    %add3A_18 = arith.addi %arg0, %add3A_17 : i32
    %jit3A_19 = arith.constant 2 : i32
    %eq3A = arith.constant 0 : i32
    %eq3A_20 = arith.cmpi eq, %jit3A_19, %eq3A : i32
    %jit3A_21 = arith.constant 1 : i32
    %select_n3A_22 = arith.select %eq3A_20, %jit3A_21, %jit3A_19 : i32
    %rem3A_23 = arith.remsi %add3A_18, %select_n3A_22 : i32
    %ne3A_24 = arith.constant 0 : i32
    %ne3A_25 = arith.cmpi ne, %rem3A_23, %ne3A_24 : i32
    %lt3A = arith.constant 0 : i32
    %lt3A_26 = arith.cmpi slt, %rem3A_23, %lt3A : i32
    %lt3A_27 = arith.constant 0 : i32
    %lt3A_28 = arith.cmpi slt, %select_n3A_22, %lt3A_27 : i32
    %ne3A_29 = arith.xori %lt3A_26, %lt3A_28 : i1
    %and3A_30 = arith.andi %ne3A_29, %ne3A_25 : i1
    %add3A_31 = arith.addi %rem3A_23, %select_n3A_22 : i32
    %select_n3A_32 = arith.select %and3A_30, %add3A_31, %rem3A_23 : i32
    %c0_i32 = arith.constant 0 : i32
    %c0_i32_33 = arith.constant 0 : i32
    return %select_n3A, %select_n3A_32, %c0_i32 : i32, i32, i32
  }
  func.func @transform_1(%arg0: i32) -> (i32, i32) {
    %c0_i32 = arith.constant 0 : i32
    %c0_i32_0 = arith.constant 0 : i32
    %c0_i32_1 = arith.constant 0 : i32
    return %c0_i32, %c0_i32_0 : i32, i32
  }
  func.func @transform_2(%arg0: i32) -> i32 {
    %c0_i32 = arith.constant 0 : i32
    %c0_i32_0 = arith.constant 0 : i32
    return %c0_i32 : i32
  }
  func.func @transform_3(%arg0: i32) -> (i32, i32, i32) {
    %add3A = arith.constant 1 : i32
    %add3A_0 = arith.addi %arg0, %add3A : i32
    %jit3A = arith.constant 2 : i32
    %div3A = arith.divsi %add3A_0, %jit3A : i32
    %sign3A = arith.constant 0 : i32
    %sign3A_1 = arith.cmpi sgt, %add3A_0, %sign3A : i32
    %sign3A_2 = arith.extui %sign3A_1 : i1 to i32
    %sign3A_3 = arith.constant 0 : i32
    %sign3A_4 = arith.cmpi slt, %add3A_0, %sign3A_3 : i32
    %sign3A_5 = arith.extui %sign3A_4 : i1 to i32
    %sign3A_6 = arith.subi %sign3A_2, %sign3A_5 : i32
    %sign3A_7 = arith.constant 0 : i32
    %sign3A_8 = arith.cmpi sgt, %jit3A, %sign3A_7 : i32
    %sign3A_9 = arith.extui %sign3A_8 : i1 to i32
    %sign3A_10 = arith.constant 0 : i32
    %sign3A_11 = arith.cmpi slt, %jit3A, %sign3A_10 : i32
    %sign3A_12 = arith.extui %sign3A_11 : i1 to i32
    %sign3A_13 = arith.subi %sign3A_9, %sign3A_12 : i32
    %ne3A = arith.cmpi ne, %sign3A_6, %sign3A_13 : i32
    %rem3A = arith.remsi %add3A_0, %jit3A : i32
    %ne3A_14 = arith.constant 0 : i32
    %ne3A_15 = arith.cmpi ne, %rem3A, %ne3A_14 : i32
    %and3A = arith.andi %ne3A, %ne3A_15 : i1
    %sub3A = arith.constant 1 : i32
    %sub3A_16 = arith.subi %div3A, %sub3A : i32
    %select_n3A = arith.select %and3A, %sub3A_16, %div3A : i32
    %add3A_17 = arith.constant 1 : i32
    %add3A_18 = arith.addi %arg0, %add3A_17 : i32
    %jit3A_19 = arith.constant 2 : i32
    %eq3A = arith.constant 0 : i32
    %eq3A_20 = arith.cmpi eq, %jit3A_19, %eq3A : i32
    %jit3A_21 = arith.constant 1 : i32
    %select_n3A_22 = arith.select %eq3A_20, %jit3A_21, %jit3A_19 : i32
    %rem3A_23 = arith.remsi %add3A_18, %select_n3A_22 : i32
    %ne3A_24 = arith.constant 0 : i32
    %ne3A_25 = arith.cmpi ne, %rem3A_23, %ne3A_24 : i32
    %lt3A = arith.constant 0 : i32
    %lt3A_26 = arith.cmpi slt, %rem3A_23, %lt3A : i32
    %lt3A_27 = arith.constant 0 : i32
    %lt3A_28 = arith.cmpi slt, %select_n3A_22, %lt3A_27 : i32
    %ne3A_29 = arith.xori %lt3A_26, %lt3A_28 : i1
    %and3A_30 = arith.andi %ne3A_29, %ne3A_25 : i1
    %add3A_31 = arith.addi %rem3A_23, %select_n3A_22 : i32
    %select_n3A_32 = arith.select %and3A_30, %add3A_31, %rem3A_23 : i32
    %c0_i32 = arith.constant 0 : i32
    %c0_i32_33 = arith.constant 0 : i32
    return %select_n3A, %select_n3A_32, %c0_i32 : i32, i32, i32
  }
}

</mosaic_0001>

<sc_bundles>
// kernel: kernel.4.cloned.1.call-start
scs
__scs_entry_jumppad:
0x0: {  	(pc) =	sbr.rel $0x88, $3  }
0x1: {  	(tag) =	ssettag $0x0;
	lr =	simm.s32 $0x1  }
0x2: {  	[smem:$0x3F9E] =	sst lr;
	_ =	strace $0xD0000000  }
0x3: {  	_ = 	snop  }
0x4: {  	_ = 	snop  }
0x5: {  	_ = 	snop  }
0x6: {  	_ = 	snop  }
0x7: {  	_ = 	snop  }
__scs_overlays_trampoline_lowered:
0x8: {  	[smem:$0x3FAD] =	sst s0  }
0x9: {  	[smem:$0x3FAE] =	sst s1  }
0xa: {  	[smem:$0x3FAF] =	sst s2  }
0xb: {  	[smem:$0x3FB0] =	sst s3  }
0xc: {  	[smem:$0x3FB1] =	sst s4  }
0xd: {  	[smem:$0x3FB2] =	sst s5  }
0xe: {  	[smem:$0x3FB3] =	sst s6  }
0xf: {  	[smem:$0x3FB4] =	sst s7  }
0x10: {  	[smem:$0x3FB5] =	sst s8  }
0x11: {  	[smem:$0x3FB6] =	sst s9;
	s0 =	simm.s32 @!p0 $0x0  }
0x12: {  	s1 =	sld [smem:$0x3F9C];
	s0 =	simm.s32 @p0 $0x1  }
0x13: {  	[smem:$0x3FB7] =	sst s0;
	s0 =	simm.s32 @!p1 $0x0  }
0x14: {  	s2 =	sld [smem:$0x3F9B];
	s0 =	simm.s32 @p1 $0x1  }
0x15: {  	[smem:$0x3FB8] =	sst s0;
	s0 =	simm.s32 @!p2 $0x0  }
0x16: {  	s3 =	sld [smem:$0x3FDB];
	s0 =	simm.s32 @p2 $0x1  }
0x17: {  	s4 =	simm.s32 $0x1BF5;
	[smem:$0x3FBA] =	sst s0  }
0x18: {  	s0 =	sld [smem:$0x3F9D];
	_ =	swait.ge [sflag:s4], $0x0  }
0x19: {  	s7 =	sld [smem:$0x3F9E]  }
0x1a: {  	s8 =	sadd.s32 $0xFFFFE003, lr  }
0x1b: {  	s9 =	sadd.s32 $0xFFFFFEF7, lr;
	s5 =	simm.s32 $0xFFFFFFFF;
	p2 =	slt.u32 s8, $0xFFFFF086  }
0x1c: {  	p1 =	slt.u32 s9, $0xF7A;
	s5 =	simm.s32 @!p2 $0x0  }
0x1d: {  	s5 =	simm.s32 @p1 $0x1;
	p0 =	seq.s32 s7, s2  }
0x1e: {  	s7 =	smul.u32 @!p0 $0xF7A, s2;
	p2 =	seq.s32 @!p0 s5, $0x0  }
0x1f: {  	s9 =	smul.u32 $0xF7A, s1;
	s8 =	simm.s32 @!p0 $0x1BF5;
	p2 =	por !p2, p0  }
0x20: {  	[sflag:s8] =	ssyncset.s32 @!p0 $0xFFFFF086;
	s6 =	sadd.s32 @!p0 s3, s7;
	s7 =	simm.s32 @!p0 $0x108  }
0x21: {  	s3 =	sadd.s32 s3, s9;
	s6 =	sadd.s32 @!p0 $0x88, s6;
	s7 =	simm.s32 @p2 $0x1082  }
0x22: {  	[simem:s7], [sflag:s8] =	dma.local @!p0 [hbm:s6], $0xF7A  }
0x23: {  	s9 =	sor.u32 $0xD0000000, s2;
	s6 =	simm.s32 $0x108;
	_ =	swait.ge @!p0 [sflag:s8], $0x0  }
0x24: {  	s3 =	sadd.s32 $0x88, s3;
	s6 =	simm.s32 @!p1 $0x1082;
	[sflag:s4] =	ssyncset.s32 $0xFFFFF086  }
0x25: {  	[simem:s6], [sflag:s4] =	dma.local [hbm:s3], $0xF7A  }
0x26: {  	[smem:$0x3F9E] =	sst s1;
	(tag) =	ssettag s2;
	_ =	strace s9  }
0x27: {  	s1 =	sld [smem:$0x3FAE]  }
0x28: {  	s2 =	sld [smem:$0x3FAF]  }
0x29: {  	s4 =	sld [smem:$0x3FB1]  }
0x2a: {  	p0 =	seq.s32 s5, $0x0;
	s5 =	sld [smem:$0x3FB2]  }
0x2b: {  	s6 =	sld [smem:$0x3FB3]  }
0x2c: {  	s7 =	sld [smem:$0x3FB4]  }
0x2d: {  	s3 =	simm.s32 $0x108;
	s8 =	sld [smem:$0x3FB5]  }
0x2e: {  	s3 =	simm.s32 @!p0 $0x1082;
	s9 =	sld [smem:$0x3FB6]  }
0x2f: {  	lr =	sadd.s32 s0, s3;
	s0 =	sld [smem:$0x3FAD]  }
0x30: {  	s3 =	sld [smem:$0x3FB0]  }
0x31: {  	[smem:$0x3FB9] =	sst s10  }
0x32: {  	s10 =	sld [smem:$0x3FB7];
	_ =	sdelay $0x3  }
0x33: {  	p0 =	seq.s32 s10, $0x1;
	s10 =	sld [smem:$0x3FB9];
	_ =	sdelay $0x3  }
0x34: {  	[smem:$0x3FB9] =	sst s10  }
0x35: {  	s10 =	sld [smem:$0x3FB8];
	_ =	sdelay $0x3  }
0x36: {  	p1 =	seq.s32 s10, $0x1;
	s10 =	sld [smem:$0x3FB9];
	_ =	sdelay $0x3  }
0x37: {  	[smem:$0x3FB9] =	sst s10  }
0x38: {  	s10 =	sld [smem:$0x3FBA]  }
0x39: {  	_ = 	snop;
	(pc) =	sbr.ind lr, $3  }
0x3a: {  	_ = 	snop  }
0x3b: {  	_ = 	snop  }
0x3c: {  	p2 =	seq.s32 s10, $0x1;
	s10 =	sld [smem:$0x3FB9]  }
0x3d: {  	_ =	shalt  }
0x3e: {  	_ =	shalt  }
0x3f: {  	_ =	shalt  }
0x40: {  	_ =	shalt  }
0x41: {  	_ =	shalt  }
0x42: {  	_ =	shalt  }
0x43: {  	_ =	shalt  }
0x44: {  	_ =	shalt  }
0x45: {  	_ =	shalt  }
0x46: {  	_ =	shalt  }
0x47: {  	_ =	shalt  }
0x48: {  	_ =	shalt  }
0x49: {  	_ =	shalt  }
0x4a: {  	_ =	shalt  }
0x4b: {  	_ =	shalt  }
0x4c: {  	_ =	shalt  }
0x4d: {  	_ =	shalt  }
0x4e: {  	_ =	shalt  }
0x4f: {  	_ =	shalt  }
0x50: {  	_ =	shalt  }
0x51: {  	_ =	shalt  }
0x52: {  	_ =	shalt  }
0x53: {  	_ =	shalt  }
0x54: {  	_ =	shalt  }
0x55: {  	_ =	shalt  }
0x56: {  	_ =	shalt  }
0x57: {  	_ =	shalt  }
0x58: {  	_ =	shalt  }
0x59: {  	_ =	shalt  }
0x5a: {  	_ =	shalt  }
0x5b: {  	_ =	shalt  }
0x5c: {  	_ =	shalt  }
0x5d: {  	_ =	shalt  }
0x5e: {  	_ =	shalt  }
0x5f: {  	_ =	shalt  }
0x60: {  	_ =	shalt  }
0x61: {  	_ =	shalt  }
0x62: {  	_ =	shalt  }
0x63: {  	_ =	shalt  }
0x64: {  	_ =	shalt  }
0x65: {  	_ =	shalt  }
0x66: {  	_ =	shalt  }
0x67: {  	_ =	shalt  }
0x68: {  	_ =	shalt  }
0x69: {  	_ =	shalt  }
0x6a: {  	_ =	shalt  }
0x6b: {  	_ =	shalt  }
0x6c: {  	_ =	shalt  }
0x6d: {  	_ =	shalt  }
0x6e: {  	_ =	shalt  }
0x6f: {  	_ =	shalt  }
0x70: {  	_ =	shalt  }
0x71: {  	_ =	shalt  }
0x72: {  	_ =	shalt  }
0x73: {  	_ =	shalt  }
0x74: {  	_ =	shalt  }
0x75: {  	_ =	shalt  }
0x76: {  	_ =	shalt  }
0x77: {  	_ =	shalt  }
0x78: {  	_ =	shalt  }
0x79: {  	_ =	shalt  }
0x7a: {  	_ =	shalt  }
0x7b: {  	_ =	shalt  }
0x7c: {  	_ =	shalt  }
0x7d: {  	_ =	shalt  }
0x7e: {  	_ =	shalt  }
0x7f: {  	_ =	shalt  }
0x80: {  	_ =	shalt  }
0x81: {  	_ =	shalt  }
0x82: {  	_ =	shalt  }
0x83: {  	_ =	shalt  }
0x84: {  	_ =	shalt  }
0x85: {  	_ =	shalt  }
0x86: {  	_ =	shalt  }
0x87: {  	_ =	shalt  }
.Lfunc_end0:
.L_simem_size_0:
called_computation_lowered:
.L_overlay_start_0:
0x88: {  	s2 =	sld [smem:$0x3FD9]  }
0x89: {  	s3 =	sld [smem:$0x3FFE];
	_ =	sdelay $0x1  }
0x8a: {  	s1 =	srdreg.scid  }
0x8b: {  	s0 =	sand.u32 $0x1, s1  }
0x8c: {  	s17 =	sshll.u32 s0, $0xA;
	s2 =	sadd.s32 s3, s2  }
0x8d: {  	s2 =	sadd.s32 s2, s17  }
0x8e: {  	[smem:$0x3FC5] =	sst s2  }
0x8f: {  	_ = 	snop  }
0x90: {  	s2 =	sld [smem:$0x3FC9]  }
0x91: {  	s18 =	sld [smem:$0x3FC8]  }
0x92: {  	s4 =	sld [smem:$0x3FC7];
	(tm) =	ssettm $0x1  }
0x93: {  	s5 =	sld [smem:$0x3FFB];
	_ =	sdelay $0x3  }
0x94: {  	_ =	strace s5  }
0x95: {  	s5 =	sld [smem:$0x3FFC];
	_ =	sdelay $0x3  }
0x96: {  	_ =	strace s5  }
0x97: {  	s5 =	sld [smem:$0x3FFD];
	_ =	sdelay $0x3  }
0x98: {  	_ =	strace s5  }
0x99: {  	_ =	strace $0x8FFFFFFF  }
0x9a: {  	s19 =	sld [smem:$0x3FDB];
	_ =	sdelay $0x1  }
0x9b: {  	s6 =	simm.s32 $_scs_section_size  }
0x9c: {  	s7 =	simm.s32 $_size__tile_overlayer_lowered;
	s8 =	simm.s32 $_tile_overlayer_lowered  }
0x9d: {  	s22 =	simm.s32 $0x1BFF;
	s21 =	sshll.u32 s8, $0x1;
	s5 =	sadd.s32 s6, s19  }
0x9e: {  	s9 =	simm.s32 $0x0;
	s20 =	sshll.u32 s7, $0x1;
	s7 =	sadd.s32 s21, s5  }
0x9f: {  	[timem:s9], [sflag:s22] =	dma.local [hbm:s7], s20  }
0xa0: {  	_ =	swait.ge [sflag:s22], s20  }
0xa1: {  	s6 =	ssub.s32 $0x0, s20;
	[sflag:s22] =	ssyncset.done $0x0  }
0xa2: {  	[sflag:s22] =	ssyncadd.s32 s6;
	_ =	sdelay $0x1  }
0xa3: {  	s23 =	simm.s32 $0x1B8B  }
0xa4: {  	_ =	swait.ge [sflag:s23], $0x1  }
0xa5: {  	[sflag:s23] =	ssyncset.done $0x0  }
0xa6: {  	s25 =	simm.s32 $0x1B8E;
	s24 =	sld [smem:$0x3FFE];
	[sflag:s23] =	ssyncadd.s32 $0xFFFFFFFF  }
0xa7: {  	s26 =	simm.s32 $execute0_lowered;
	[smem:$0x3FD2] =	sst s25  }
0xa8: {  	s7 =	sshll.u32 s26, $0x1;
	_ =	strace $0x80000046;
	[dreg:$0x1] =	wrdreg $0xFFFFFFFF  }
0xa9: {  	s28 =	simm.s32 $_size_execute0_lowered;
	s5 =	sadd.s32 s5, s7;
	[dreg:$0x0] =	wrdreg $0x0  }
0xaa: {  	s7 =	sshll.u32 s28, $0x1;
	[dreg:$0x2] =	wrdreg s5  }
0xab: {  	[dreg:$0x3] =	wrdreg s7  }
0xac: {  	[dreg:$0x4] =	wrdreg $0xC0  }
0xad: {  	_ =	task [dreg:s9], $0x5FFFF  }
0xae: {  	[dreg:$0x1] =	wrdreg $0xFFFFFFFF  }
0xaf: {  	[dreg:$0x0] =	wrdreg $0x60  }
0xb0: {  	[dreg:$0x2] =	wrdreg s2  }
0xb1: {  	[dreg:$0x3] =	wrdreg s18  }
0xb2: {  	[dreg:$0x4] =	wrdreg s4  }
0xb3: {  	[dreg:$0x5] =	wrdreg s24  }
0xb4: {  	[dreg:$0x6] =	wrdreg $0x9  }
0xb5: {  	_ =	task.clear_ibuf [dreg:s9], $0x7FFFF;
	_ =	strace $0x90000046  }
0xb6: {  	s29 =	simm.s32 $0x9;
	_ =	strace $0x80000048  }
0xb7: {  	_ =	swait.ge [sflag:s29], $0x1  }
0xb8: {  	[sflag:s29] =	ssyncadd.s32 $0xFFFFFFFF  }
0xb9: {  	_ =	strace $0x90000048  }
0xba: {  	_ =	sfence  }
0xbb: {  	s30 =	sld [smem:$0x0];
	_ =	sdelay $0x2  }
0xbc: {  	s31 =	sshll.u32 s1, $0xD;
	s1 =	sshrl.u32 s1, $0x2  }
0xbd: {  	s3 =	sand.u32 $0x4000, s31;
	s1 =	sadd.s32 s1, s30  }
0xbe: {  	s0 =	sor.u32 s3, s0;
	s1 =	sshll.u32 s1, $0x11  }
0xbf: {  	s0 =	sor.u32 s1, s0  }
0xc0: {  	s0 =	sadd.s32 $0x8F2B, s0  }
0xc1: {  	[sflag:s0] =	ssyncadd.remote.s32 $0x1  }
0xc2: {  	_ =	sfence.sel $0xFFFF  }
0xc3: {  	[dreg:$0x0] =	wrdreg $0xFFFFFFFF;
	(pc) =	sbr.abs _section_cstart, $3  }
0xc4: {  	[dreg:$0x1] =	wrdreg $0xFFFFFFFF  }
0xc5: {  	_ =	task.clear_ibuf [dreg:s9], $0x2FFFF;
	_ =	strace $0x9FFFFFFF  }
0xc6: {  	(tm) =	ssettm $0x7FFFFFFF  }
0xc7: {  	_ =	shalt  }
tec
execute0_lowered:
.L_overlay_start_1:
0x0: {  	(tag) =	ssettag $0x1  }
0x1: {  	s1 =	srdreg.scid;
	s2 =	stileid.u32  }
0x2: {  	s3 =	rddreg [dreg:$0x0];
	s1 =	sand.u32 $0x1, s1;
	s2 =	sshll.u32 s2, $0x1  }
0x3: {  	s0 =	rddreg [dreg:$0x3];
	s4 =	simm.s32 $0x0;
	s5 =	sor.u32 s1, s2  }
0x4: {  	[smem:$0x7FF] =	sst s4;
	s2 =	smul.u32 $0x6, s5  }
0x5: {  	_ =	strace $0x80000047;
	s1 =	ssub.s32 $0x2, s1;
	s7 =	smul.u32 $0xF00, s5  }
0x6: {  	s6 =	sshll.u32 s5, $0x7;
	s13 =	sshrl.u32 s1, $0x1;
	s5 =	smul.u32 $0x300, s5  }
0x7: {  	s0 =	sadd.s32 s6, s0;
	s1 =	ssub.s32 s1, s13;
	s2 =	sand.u32 $0x6, s2  }
0x8: {  	s14 =	sand.u32 $0x1FC00, s7;
	s0 =	sadd.s32 $0x600, s0;
	s15 =	sshll.u32 s2, $0x9  }
0x9: {  	s3 =	sadd.s32 s3, s14;
	s16 =	sadd.s32 $0x2, s2;
	s18 =	sadd.s32 $0x3, s2  }
0xa: {  	s19 =	sadd.s32 $0x4, s2;
	s22 =	sadd.s32 $0x5, s2;
	[dreg:$0xc] =	wrdreg s0  }
0xb: {  	s24 =	sadd.s32 $0x6, s2;
	s25 =	sadd.s32 $0x7, s2;
	[dreg:$0xb] =	wrdreg s3  }
0xc: {  	s29 =	sadd.s32 $0xA, s2;
	s31 =	sadd.s32 $0xB, s2;
	[dreg:$0x5] =	wrdreg s15  }
0xd: {  	s17 =	sshll.u32 s16, $0xA;
	s3 =	sshll.u32 s16, $0x7;
	s8 =	sshll.u32 s18, $0xA  }
0xe: {  	s7 =	sshll.u32 s18, $0x7;
	s9 =	sshll.u32 s19, $0xA;
	s10 =	sshll.u32 s19, $0x7  }
0xf: {  	s23 =	sshll.u32 s22, $0xA;
	s11 =	sshll.u32 s24, $0xA;
	s12 =	sshll.u32 s25, $0xA  }
0x10: {  	s13 =	sshll.u32 s25, $0x7;
	s30 =	sshll.u32 s29, $0xA;
	s14 =	sshll.u32 s31, $0xA  }
0x11: {  	s15 =	sshll.u32 s31, $0x7;
	s16 =	sadd.s32 $0xC, s2;
	s18 =	sadd.s32 $0xD, s2  }
0x12: {  	s31 =	smax.u32 s1, $0x1;
	s1 =	simm.s32 $0x2;
	s3 =	sor.u32 s3, s17  }
0x13: {  	s20 =	sor.u32 s7, s8;
	s21 =	sor.u32 s10, s9;
	s10 =	sshll.u32 s24, $0x7  }
0x14: {  	s28 =	sor.u32 s13, s12;
	s12 =	sand.u32 $0x300, s5;
	s15 =	sor.u32 s15, s14  }
0x15: {  	s17 =	sshll.u32 s16, $0xA;
	s19 =	sshll.u32 s18, $0xA;
	s24 =	sadd.s32 $0xF, s2  }
0x16: {  	[dreg:$0xd] =	wrdreg s31;
	s6 =	sand.u32 $0x2300, s3;
	s7 =	sand.u32 $0x2380, s20  }
0x17: {  	s8 =	sand.u32 $0x2300, s21;
	s3 =	sshll.u32 s22, $0x7;
	s26 =	sor.u32 s10, s11  }
0x18: {  	s11 =	sand.u32 $0x2380, s28;
	s14 =	sand.u32 $0x6380, s15;
	s25 =	sshll.u32 s24, $0xA  }
0x19: {  	[dreg:$0x6] =	wrdreg s12;
	s3 =	sor.u32 s3, s23;
	s10 =	sand.u32 $0x2300, s26  }
0x1a: {  	[dreg:$0x7] =	wrdreg s7;
	s9 =	sand.u32 $0x2380, s3;
	s3 =	sshll.u32 s29, $0x7  }
0x1b: {  	s26 =	sadd.s32 $0x12, s2;
	[dreg:$0x8] =	wrdreg s11;
	s3 =	sor.u32 s3, s30  }
0x1c: {  	s28 =	sshll.u32 s26, $0xA;
	s13 =	sand.u32 $0x6300, s3;
	s3 =	sshll.u32 s16, $0x7  }
0x1d: {  	s16 =	sadd.s32 $0xE, s2;
	s2 =	sadd.s32 $0x13, s2;
	s3 =	sor.u32 s3, s17  }
0x1e: {  	s17 =	sshll.u32 s18, $0x7;
	s18 =	sshll.u32 s16, $0xA;
	s16 =	sshll.u32 s16, $0x7  }
0x1f: {  	s15 =	sand.u32 $0x6300, s3;
	s20 =	sor.u32 s17, s19;
	s21 =	sor.u32 s16, s18  }
0x20: {  	s3 =	sshll.u32 s24, $0x7;
	s19 =	sshll.u32 s26, $0x7;
	s22 =	sand.u32 $0x6380, s20  }
0x21: {  	s23 =	sand.u32 $0x6300, s21;
	s3 =	sor.u32 s3, s25;
	s20 =	sshll.u32 s2, $0xA  }
0x22: {  	s2 =	sshll.u32 s2, $0x7;
	s30 =	sor.u32 s19, s28;
	s18 =	smov.u32 s22  }
0x23: {  	s29 =	sand.u32 $0x6380, s3;
	s2 =	sor.u32 s2, s20;
	s16 =	sand.u32 $0x6300, s30  }
0x24: {  	s19 =	smov.u32 s23;
	s17 =	sand.u32 $0x6380, s2;
	[dreg:$0x9] =	wrdreg s16  }
0x25: {  	s20 =	smov.u32 s29;
	s2 =	simm.s32 $0x0;
	[dreg:$0xa] =	wrdreg s17  }
.LBB2_1:
0x26: {  	[dreg:$0xe] =	wrdreg s2  }
0x27: {  	s0 =	rddreg [dreg:$0xb]  }
0x28: {  	[tilespmem:s4], [sflag:$0x1] =	stream.linear.gather [hbm4b:s0+s4], $0x8000, $0x38;
	[tilespmem:$0x8880] =	vst v63  }
0x29: {  	s30 =	simm.s32 $0x8000;
	s28 =	rddreg [dreg:$0x1]  }
0x2a: {  	[tilespmem:s30], [sflag:$0x2] =	stream.linear.gather [hbm4b:s28+s4], $0x400, $0x38;
	[tilespmem:$0x8880] =	vst v63  }
0x2b: {  	_ =	swait.ge [sflag:s1], $0x400  }
0x2c: {  	[sflag:s1] =	ssyncset.done $0x0  }
0x2d: {  	[sflag:s1] =	ssyncadd.s32 $0xFFFFFC00  }
0x2e: {  	s3 =	simm.s32 $0x8400;
	s2 =	rddreg [dreg:$0x2]  }
0x2f: {  	[tilespmem:s3], [sflag:$0x2] =	stream.linear.gather [hbm4b:s2+s4], $0x80, $0x38;
	[tilespmem:$0x8880] =	vst v63  }
0x30: {  	_ =	swait.ge [sflag:s1], $0x80  }
0x31: {  	[sflag:s1] =	ssyncset.done $0x0  }
0x32: {  	[sflag:s1] =	ssyncadd.s32 $0xFFFFFF80  }
0x33: {  	v0 =	vld.msk [tilespmem:s3+$0x0], $0xffff;
	s3 =	simm.s32 $0x1  }
0x34: {  	_ =	swait.ge [sflag:s3], $0x8000  }
0x35: {  	s1 =	sand.u32 $0x1C00, s4;
	[sflag:s3] =	ssyncset.done $0x0  }
0x36: {  	s0 =	sand.u32 $0x70, s4;
	s22 =	sadd.s32 s1, s6;
	[sflag:s3] =	ssyncadd.s32 $0xFFFF8000  }
0x37: {  	s24 =	sadd.s32 s1, s8;
	s23 =	sadd.s32 s0, s22;
	s5 =	rddreg [dreg:$0x5];
	v1 =	vld [tilespmem:s30+$0x0]  }
0x38: {  	s26 =	sadd.s32 s1, s10;
	s21 =	sshrl.u32 s5, $0x2;
	s3 =	sadd.s32 s0, s24;
	v7 =	vld [tilespmem:s23+$0x0]  }
0x39: {  	s2 =	sor.u32 s21, s1;
	v10 =	vld [tilespmem:s3+$0x0];
	s3 =	sadd.s32 s0, s26  }
0x3a: {  	s2 =	sadd.s32 s0, s2;
	v12 =	vld [tilespmem:s3+$0x0]  }
0x3b: {  	v2 =	vld [tilespmem:s2+$0x4000]  }
0x3c: {  	v3 =	vld [tilespmem:s2+$0x0]  }
0x3d: {  	s5 =	sadd.s32 s1, s7;
	v4 =	vld [tilespmem:s2+$0x80]  }
0x3e: {  	s25 =	sadd.s32 s1, s9;
	s5 =	sadd.s32 s0, s5;
	v5 =	vld [tilespmem:s2+$0x2000]  }
0x3f: {  	v13 =	vimm.f32 $0.0e+00;
	v21 =	vimm.f32 $0.0e+00;
	v20 =	vimm.f32 $0.0e+00;
	s28 =	sadd.s32 s1, s11;
	v9 =	vld [tilespmem:s5+$0x0];
	s2 =	sadd.s32 s0, s25  }
0x40: {  	v18 =	vimm.f32 $0.0e+00;
	v19 =	vimm.f32 $0.0e+00;
	v16 =	vimm.f32 $0.0e+00;
	v11 =	vld [tilespmem:s2+$0x0];
	s2 =	sadd.s32 s0, s28  }
0x41: {  	s31 =	simm.s32 $0x10;
	v17 =	vimm.f32 $0.0e+00;
	v15 =	vimm.f32 $0.0e+00;
	v14 =	vld [tilespmem:s2+$0x0];
	v3 =	vmul.f32 v3, v1  }
0x42: {  	s4 =	sor.u32 s12, s1;
	s29 =	sadd.s32 s1, s19;
	s23 =	sadd.s32 s1, s13;
	v27 =	vmul.f32 v12, v1;
	v12 =	vimm.f32 $0.0e+00;
	v4 =	vmul.f32 v4, v1  }
0x43: {  	s22 =	sadd.s32 s1, s16;
	s24 =	sadd.s32 s1, s15;
	s3 =	sadd.s32 s0, s23;
	v2 =	vmul.f32 v2, v1;
	v8 =	vadd.f32 v3, v13;
	v3 =	vmul.f32 v5, v1  }
0x44: {  	s26 =	sadd.s32 s1, s18;
	s21 =	sadd.s32 s1, s20;
	v22 =	vld [tilespmem:s3+$0x0];
	s3 =	sadd.s32 s0, s4;
	v6 =	vadd.f32 v4, v13;
	v4 =	vmul.f32 v7, v1;
	v5 =	vmul.f32 v9, v1  }
0x45: {  	s5 =	sadd.s32 s0, s29;
	s25 =	sadd.s32 s1, s14;
	s4 =	sadd.s32 s0, s26;
	v26 =	vld [tilespmem:s3+$0x2080];
	v2 =	vadd.f32 v2, v13;
	v7 =	vmul.f32 v10, v1;
	v10 =	vmul.f32 v11, v1  }
0x46: {  	s29 =	rddreg [dreg:$0x5];
	s1 =	sadd.s32 s1, s17;
	s28 =	sadd.s32 s0, s25;
	v25 =	vld [tilespmem:s4+$0x0];
	v28 =	vmul.f32 v14, v1;
	v3 =	vadd.f32 v3, v13;
	v11 =	vadd.f32 v4, v13  }
0x47: {  	s26 =	sadd.s32 s0, s22;
	s25 =	sadd.s32 s0, s24;
	s24 =	sadd.s32 s0, s21;
	v23 =	vld [tilespmem:s28+$0x0];
	v14 =	vimm.f32 $0.0e+00;
	v9 =	vadd.f32 v5, v13;
	v7 =	vadd.f32 v7, v13  }
0x48: {  	s2 =	sadd.s32 s0, s1;
	v24 =	vld [tilespmem:s25+$0x0];
	s1 =	simm.s32 $0x20;
	s0 =	simm.s32 $0x0;
	v5 =	vadd.f32 v10, v13;
	v10 =	vimm.f32 $0.0e+00;
	v4 =	vimm.f32 $0.0e+00  }
.LBB2_2:
0x49: {  	p0 =	sne.s32 s1, $0x3F0  }
0x4a: {  	s0 =	sadd.s32 $0x80, s0;
	s28 =	sshrl.u32 s29, $0x2;
	s29 =	sand.u32 $0x70, s31  }
0x4b: {  	s30 =	sadd.s32 $0x10, s30;
	s17 =	smov.u32 s6;
	v13 =	vadd.f32 v27, v13;
	v27 =	vld [tilespmem:s5+$0x0];
	s4 =	sand.u32 $0x1C00, s0;
	v26 =	vmul.f32 v26, v1  }
0x4c: {  	s16 =	smov.u32 s20;
	v21 =	vadd.f32 v28, v21;
	v28 =	vld [tilespmem:s24+$0x0];
	s5 =	sor.u32 s28, s4;
	s21 =	sadd.s32 s4, s7;
	v22 =	vmul.f32 v22, v1  }
0x4d: {  	s22 =	sadd.s32 s4, s8;
	s24 =	sadd.s32 s4, s9;
	s25 =	sadd.s32 s4, s10;
	v23 =	vmul.f32 v23, v1;
	v20 =	vadd.f32 v26, v20;
	v26 =	vld [tilespmem:s3+$0x4080]  }
0x4e: {  	v29 =	vld [tilespmem:s30+$0x0];
	s31 =	sor.u32 s12, s4;
	s23 =	sadd.s32 s4, s13;
	s28 =	sadd.s32 s4, s14;
	v18 =	vadd.f32 v22, v18;
	v22 =	vmul.f32 v24, v1  }
0x4f: {  	s7 =	sadd.s32 s4, s18;
	s12 =	smov.u32 s19;
	v24 =	vld [tilespmem:s26+$0x0];
	s3 =	sadd.s32 s29, s5;
	v19 =	vadd.f32 v23, v19;
	v23 =	vmul.f32 v25, v1  }
0x50: {  	s24 =	sadd.s32 s29, s24;
	s5 =	sadd.s32 s4, s6;
	s26 =	sadd.s32 s4, s11;
	v25 =	vld [tilespmem:s3+$0x4000];
	v16 =	vadd.f32 v22, v16;
	v22 =	vmul.f32 v27, v1  }
0x51: {  	s6 =	sadd.s32 s4, s15;
	s11 =	smov.u32 s18;
	s18 =	smov.u32 s13;
	v27 =	vld [tilespmem:s3+$0x0];
	v17 =	vadd.f32 v23, v17  }
0x52: {  	s13 =	smov.u32 s8;
	s8 =	sadd.s32 s4, s19;
	s19 =	smov.u32 s14;
	v23 =	vmul.f32 v28, v1;
	v28 =	vld [tilespmem:s3+$0x80];
	v15 =	vadd.f32 v22, v15;
	v22 =	vmul.f32 v26, v1  }
0x53: {  	s14 =	smov.u32 s9;
	s9 =	sadd.s32 s4, s20;
	s20 =	smov.u32 s15;
	v26 =	vld [tilespmem:s3+$0x2000]  }
0x54: {  	s15 =	smov.u32 s10;
	s10 =	rddreg [dreg:$0x9];
	v14 =	vadd.f32 v23, v14;
	v23 =	vmul.f32 v24, v1;
	s3 =	sadd.s32 s29, s5;
	v12 =	vadd.f32 v22, v12;
	v22 =	vld [tilespmem:s2+$0x0]  }
0x55: {  	s23 =	sadd.s32 s29, s23;
	s5 =	sadd.s32 s29, s21;
	s21 =	rddreg [dreg:$0xa];
	v24 =	vld [tilespmem:s3+$0x0]  }
0x56: {  	s10 =	sadd.s32 s4, s10;
	s4 =	sadd.s32 s4, s21;
	s21 =	sadd.s32 s29, s22;
	v25 =	vmul.f32 v25, v29;
	v10 =	vadd.f32 v23, v10;
	v23 =	vmul.f32 v27, v29;
	v27 =	vld [tilespmem:s5+$0x0]  }
0x57: {  	s28 =	sadd.s32 s29, s28;
	s7 =	sadd.s32 s29, s7;
	s6 =	sadd.s32 s29, s6;
	v28 =	vmul.f32 v28, v29;
	v30 =	vld [tilespmem:s21+$0x0]  }
0x58: {  	s22 =	sadd.s32 s29, s25;
	s25 =	sadd.s32 s29, s26;
	s3 =	sadd.s32 s29, s31;
	v2 =	vadd.f32 v25, v2;
	v8 =	vadd.f32 v23, v8;
	v23 =	vld [tilespmem:s24+$0x0]  }
0x59: {  	s26 =	sadd.s32 s29, s10;
	s10 =	smov.u32 s15;
	s15 =	smov.u32 s20;
	v6 =	vadd.f32 v28, v6;
	v28 =	vld [tilespmem:s22+$0x0];
	v25 =	vmul.f32 v26, v29;
	v22 =	vmul.f32 v22, v1;
	v1 =	vmovc v29  }
0x5a: {  	s20 =	smov.u32 s16;
	s31 =	smov.u32 s1;
	s5 =	sadd.s32 s29, s8;
	v29 =	vld [tilespmem:s25+$0x0];
	v24 =	vmul.f32 v24, v1  }
.Ltmp0:
0x5b: {  	s8 =	smov.u32 s13;
	s13 =	smov.u32 s18;
	v26 =	vld [tilespmem:s3+$0x2080];
	v3 =	vadd.f32 v25, v3;
	v25 =	vmul.f32 v27, v1;
	(pc) =	sbr.rel @p0 .LBB2_2-.Ltmp0, $4  }
0x5c: {  	s18 =	smov.u32 s11;
	s2 =	sadd.s32 s29, s4;
	s11 =	rddreg [dreg:$0x8];
	v4 =	vadd.f32 v22, v4;
	v22 =	vld [tilespmem:s23+$0x0];
	v11 =	vadd.f32 v24, v11;
	v24 =	vmul.f32 v30, v1  }
0x5d: {  	s24 =	sadd.s32 s29, s9;
	s9 =	smov.u32 s14;
	s29 =	rddreg [dreg:$0x5];
	v9 =	vadd.f32 v25, v9;
	v25 =	vmul.f32 v23, v1;
	v23 =	vld [tilespmem:s28+$0x0]  }
0x5e: {  	s14 =	smov.u32 s19;
	s19 =	smov.u32 s12;
	s12 =	rddreg [dreg:$0x6];
	v7 =	vadd.f32 v24, v7;
	v24 =	vld [tilespmem:s6+$0x0]  }
0x5f: {  	s1 =	sadd.s32 $0x10, s1;
	v27 =	vmul.f32 v28, v1;
	s6 =	smov.u32 s17;
	v5 =	vadd.f32 v25, v5;
	v28 =	vmul.f32 v29, v1;
	v25 =	vld [tilespmem:s7+$0x0];
	s7 =	rddreg [dreg:$0x7]  }
0x60: {  	v29 =	vld [tilespmem:s5+$0x0]  }
0x61: {  	v30 =	vld [tilespmem:s24+$0x0]  }
0x62: {  	s0 =	sadd.s32 $0x80, s0;
	v31 =	vld [tilespmem:s3+$0x4080]  }
0x63: {  	s29 =	sshrl.u32 s29, $0x2;
	v32 =	vld [tilespmem:s26+$0x0];
	s1 =	sand.u32 $0x1C00, s0  }
0x64: {  	s4 =	sadd.s32 $0x10, s30;
	v38 =	vld [tilespmem:s2+$0x0];
	s0 =	sand.u32 $0x70, s31;
	s22 =	sor.u32 s29, s1  }
0x65: {  	v33 =	vld [tilespmem:s4+$0x0];
	s3 =	sadd.s32 s0, s22  }
0x66: {  	v34 =	vld [tilespmem:s3+$0x4000]  }
0x67: {  	v35 =	vld [tilespmem:s3+$0x0]  }
0x68: {  	s23 =	sadd.s32 s1, s6;
	v36 =	vld [tilespmem:s3+$0x80]  }
0x69: {  	s25 =	sadd.s32 s1, s8;
	s4 =	sadd.s32 s0, s23;
	v37 =	vld [tilespmem:s3+$0x2000]  }
0x6a: {  	s24 =	sadd.s32 s1, s7;
	s2 =	sadd.s32 s0, s25;
	v44 =	vld [tilespmem:s4+$0x0]  }
0x6b: {  	v26 =	vmul.f32 v26, v1;
	v23 =	vmul.f32 v23, v1;
	s26 =	sadd.s32 s1, s9;
	s3 =	sadd.s32 s0, s24;
	v46 =	vld [tilespmem:s2+$0x0]  }
0x6c: {  	v13 =	vadd.f32 v27, v13;
	v21 =	vadd.f32 v28, v21;
	v22 =	vmul.f32 v22, v1;
	s5 =	sadd.s32 s1, s11;
	s4 =	sadd.s32 s0, s26;
	v45 =	vld [tilespmem:s3+$0x0]  }
0x6d: {  	v20 =	vadd.f32 v26, v20;
	s28 =	sadd.s32 s1, s10;
	v24 =	vmul.f32 v24, v1;
	v19 =	vadd.f32 v23, v19;
	s2 =	sadd.s32 s0, s5;
	v23 =	vld [tilespmem:s4+$0x0]  }
0x6e: {  	v18 =	vadd.f32 v22, v18;
	s25 =	sadd.s32 s1, s20;
	v25 =	vmul.f32 v25, v1;
	s3 =	sadd.s32 s0, s28;
	v49 =	vld [tilespmem:s2+$0x0];
	v22 =	vmul.f32 v35, v33  }
0x6f: {  	s16 =	sor.u32 s12, s1;
	s26 =	sadd.s32 s0, s25;
	v16 =	vadd.f32 v24, v16;
	v29 =	vmul.f32 v29, v1;
	v48 =	vld [tilespmem:s3+$0x0];
	v47 =	vmul.f32 v36, v33  }
0x70: {  	s17 =	sadd.s32 s1, s13;
	s4 =	sadd.s32 s0, s16;
	v30 =	vmul.f32 v30, v1;
	v55 =	vld [tilespmem:s26+$0x0];
	v8 =	vadd.f32 v22, v8;
	v22 =	vmul.f32 v44, v33  }
0x71: {  	s21 =	sadd.s32 s1, s14;
	v17 =	vadd.f32 v25, v17;
	s3 =	sadd.s32 s0, s17;
	v51 =	vld [tilespmem:s4+$0x2080];
	v50 =	vmul.f32 v45, v33;
	v6 =	vadd.f32 v47, v6  }
0x72: {  	s22 =	sadd.s32 s1, s15;
	s2 =	sadd.s32 s0, s21;
	v15 =	vadd.f32 v29, v15;
	v11 =	vadd.f32 v22, v11;
	v22 =	vmul.f32 v46, v33;
	(xrf2) =	vadd.scan.msk.f32 $0xffff, v8;
	v8 =	vld [tilespmem:s3+$0x0]  }
0x73: {  	s23 =	sadd.s32 s1, s18;
	s5 =	sadd.s32 s0, s22;
	v23 =	vmul.f32 v23, v33;
	v53 =	vmul.f32 v49, v33;
	v9 =	vadd.f32 v50, v9;
	(xrf2) =	vadd.scan.msk.f32 $0xffff, v6;
	v6 =	vld [tilespmem:s2+$0x0]  }
0x74: {  	s24 =	sadd.s32 s1, s19;
	v52 =	vmul.f32 v48, v33;
	s3 =	sadd.s32 s0, s23;
	v7 =	vadd.f32 v22, v7;
	v22 =	vmul.f32 v31, v1;
	(xrf2) =	vadd.scan.msk.f32 $0xffff, v11;
	v11 =	vld [tilespmem:s5+$0x0]  }
0x75: {  	s16 =	rddreg [dreg:$0x9];
	v5 =	vadd.f32 v23, v5;
	v23 =	vmul.f32 v32, v1;
	v21 =	vadd.f32 v53, v21;
	s2 =	sadd.s32 s0, s24;
	(xrf2) =	vadd.scan.msk.f32 $0xffff, v9;
	v9 =	vld [tilespmem:s3+$0x0]  }
0x76: {  	s17 =	rddreg [dreg:$0xa];
	v54 =	vld [tilespmem:s2+$0x0];
	v1 =	vmul.f32 v38, v1;
	v12 =	vadd.f32 v22, v12;
	v22 =	vmul.f32 v34, v33;
	(xrf2) =	vadd.scan.msk.f32 $0xffff, v7  }
0x77: {  	s28 =	sadd.s32 s1, s16;
	s1 =	sadd.s32 s1, s17;
	v13 =	vadd.f32 v52, v13;
	(xrf2) =	vadd.scan.msk.f32 $0xffff, v5;
	v5 =	vadd.f32 v23, v10;
	v10 =	vmul.f32 v51, v33  }
0x78: {  	s2 =	sadd.s32 s0, s28;
	s0 =	sadd.s32 s0, s1;
	v7 =	vmul.f32 v37, v33;
	v1 =	vadd.f32 v1, v4;
	v2 =	vadd.f32 v22, v2;
	v22 =	vld [tilespmem:s4+$0x4080]  }
0x79: {  	v4 =	vmul.f32 v8, v33;
	(xrf2) =	vadd.scan.msk.f32 $0xffff, v13;
	v8 =	vadd.f32 v10, v20;
	v10 =	vmul.f32 v11, v33;
	v11 =	vld [tilespmem:s0+$0x0]  }
0x7a: {  	v14 =	vadd.f32 v30, v14;
	v3 =	vadd.f32 v7, v3;
	(xrf2) =	vadd.scan.msk.f32 $0xffff, v21;
	v9 =	vmul.f32 v9, v33  }
0x7b: {  	v7 =	vld [tilespmem:s2+$0x0];
	v13 =	vmul.f32 v54, v33;
	v10 =	vadd.f32 v10, v16;
	v16 =	vmul.f32 v55, v33  }
0x7c: {  	v6 =	vmul.f32 v6, v33;
	v4 =	vadd.f32 v4, v18;
	v18, _, _ =	vpop (xrf2);
	(xrf2) =	vadd.scan.msk.f32 $0xffff, v3;
	v3 =	vadd.f32 v9, v17  }
0x7d: {  	v9 =	vadd.f32 v13, v15;
	v15, _, _ =	vpop (xrf2);
	(xrf2) =	vadd.scan.msk.f32 $0xffff, v8;
	v8 =	vadd.f32 v16, v14;
	v14 =	vbroadcast v18, $0xF  }
0x7e: {  	v13 =	vmul.f32 v22, v33;
	v11 =	vmul.f32 v11, v33  }
0x7f: {  	v6 =	vadd.f32 v6, v19;
	v15 =	vbroadcast v15, $0xF;
	v16, _, _ =	vpop (xrf2)  }
0x80: {  	(xrf2) =	vadd.scan.msk.f32 $0xffff, v4;
	v4 =	vmul.f32 v7, v33;
	v7 =	vadd.f32 v13, v12;
	v12, _, _ =	vpop (xrf2)  }
0x81: {  	(xrf2) =	vadd.scan.msk.f32 $0xffff, v6;
	v6 =	vadd.f32 v14, v0;
	v14, _, _ =	vpop (xrf2)  }
0x82: {  	v1 =	vadd.f32 v11, v1;
	v12 =	vbroadcast v12, $0xF;
	v11, _, _ =	vpop (xrf2)  }
0x83: {  	v13 =	vadd.f32 v15, v0;
	v4 =	vadd.f32 v4, v5;
	v5 =	vbroadcast v16, $0xF;
	(xrf2) =	vadd.scan.msk.f32 $0xffff, v10;
	v15, _, _ =	vpop (xrf2)  }
0x84: {  	v10 =	vbroadcast v14, $0xF;
	(xrf2) =	vadd.scan.msk.f32 $0xffff, v3;
	v3 =	vadd.f32 v12, v0;
	v14, _, _ =	vpop (xrf2);
	v12 =	vbroadcast v15, $0xF  }
0x85: {  	v5 =	vadd.f32 v5, v0;
	v11 =	vbroadcast v11, $0xF;
	v14 =	vbroadcast v14, $0xF  }
0x86: {  	v6 =	vmax.f32 v6, $0.0e+00;
	(xrf2) =	vadd.scan.msk.f32 $0xffff, v9;
	v9 =	vadd.f32 v10, v0  }
0x87: {  	v13 =	vmax.f32 v13, $0.0e+00;
	(xrf2) =	vadd.scan.msk.f32 $0xffff, v8;
	v5 =	vmax.f32 v5, $0.0e+00;
	v10 =	vadd.f32 v11, v0  }
0x88: {  	v3 =	vmax.f32 v3, $0.0e+00;
	v8 =	vadd.f32 v12, v0;
	v9 =	vmax.f32 v9, $0.0e+00;
	v12, _, _ =	vpop (xrf2);
	(xrf2) =	vadd.scan.msk.f32 $0xffff, v2  }
0x89: {  	v11 =	vadd.f32 v14, v0;
	v12 =	vbroadcast v12, $0xF;
	v14, _, _ =	vpop (xrf2);
	(xrf2) =	vadd.scan.msk.f32 $0xffff, v7;
	v7 =	vmax.f32 v6, v13  }
0x8a: {  	v10 =	vmax.f32 v10, $0.0e+00;
	v8 =	vmax.f32 v8, $0.0e+00;
	v15, _, _ =	vpop (xrf2);
	(xrf2) =	vadd.scan.msk.f32 $0xffff, v4;
	v4 =	vmax.f32 v7, v5  }
0x8b: {  	v14 =	vbroadcast v14, $0xF;
	v2 =	vadd.f32 v12, v0;
	v12 =	vbroadcast v15, $0xF;
	v15, _, _ =	vpop (xrf2)  }
0x8c: {  	v11 =	vmax.f32 v11, $0.0e+00;
	(xrf2) =	vadd.scan.msk.f32 $0xffff, v1;
	v1 =	vmax.f32 v4, v3;
	v15 =	vbroadcast v15, $0xF  }
0x8d: {  	v14 =	vadd.f32 v14, v0;
	v1 =	vmax.f32 v1, v9;
	v2 =	vmax.f32 v2, $0.0e+00;
	v4, _, _ =	vpop (xrf2)  }
0x8e: {  	v7 =	vadd.f32 v12, v0;
	v1 =	vmax.f32 v1, v10;
	v4 =	vbroadcast v4, $0xF  }
0x8f: {  	v12 =	vmax.f32 v14, $0.0e+00;
	v14 =	vadd.f32 v15, v0;
	v1 =	vmax.f32 v1, v8  }
0x90: {  	v7 =	vmax.f32 v7, $0.0e+00;
	v1 =	vmax.f32 v1, v11;
	v15, _, _ =	vpop (xrf2);
	v4 =	vadd.f32 v4, v0  }
0x91: {  	v14 =	vmax.f32 v14, $0.0e+00;
	v1 =	vmax.f32 v1, v2;
	v16, _, _ =	vpop (xrf2);
	v15 =	vbroadcast v15, $0xF  }
0x92: {  	v1 =	vmax.f32 v1, v12;
	v17, _, _ =	vpop (xrf2);
	v16 =	vbroadcast v16, $0xF;
	v4 =	vmax.f32 v4, $0.0e+00  }
0x93: {  	v1 =	vmax.f32 v1, v7;
	v15 =	vadd.f32 v15, v0;
	v17 =	vbroadcast v17, $0xF;
	v18, _, _ =	vpop (xrf2)  }
0x94: {  	v1 =	vmax.f32 v1, v14;
	v16 =	vadd.f32 v16, v0;
	v18 =	vbroadcast v18, $0xF  }
0x95: {  	v19, _, _ =	vpop (xrf2);
	v1 =	vmax.f32 v1, v4;
	v15 =	vmax.f32 v15, $0.0e+00;
	v17 =	vadd.f32 v17, v0  }
0x96: {  	v20, _, _ =	vpop (xrf2);
	v19 =	vbroadcast v19, $0xF;
	v16 =	vmax.f32 v16, $0.0e+00;
	v18 =	vadd.f32 v18, v0  }
0x97: {  	v20 =	vbroadcast v20, $0xF;
	v21, _, _ =	vpop (xrf2);
	v1 =	vmax.f32 v1, v15;
	v17 =	vmax.f32 v17, $0.0e+00  }
0x98: {  	v19 =	vadd.f32 v19, v0;
	v21 =	vbroadcast v21, $0xF;
	v1 =	vmax.f32 v1, v16  }
0x99: {  	v18 =	vmax.f32 v18, $0.0e+00;
	v20 =	vadd.f32 v20, v0;
	v1 =	vmax.f32 v1, v17  }
0x9a: {  	v19 =	vmax.f32 v19, $0.0e+00;
	v0 =	vadd.f32 v21, v0;
	v1 =	vmax.f32 v1, v18  }
0x9b: {  	v20 =	vmax.f32 v20, $0.0e+00;
	v1 =	vmax.f32 v1, v19  }
0x9c: {  	v0 =	vmax.f32 v0, $0.0e+00;
	v1 =	vmax.f32 v1, v20  }
0x9d: {  	v1 =	vmax.f32 v1, v0  }
0x9e: {  	v6 =	vsub.f32 v6, v1  }
0x9f: {  	v13 =	vsub.f32 v13, v1  }
0xa0: {  	v6 =	vmul.f32 $1.442695020e+00, v6  }
0xa1: {  	v5 =	vsub.f32 v5, v1;
	v13 =	vmul.f32 $1.442695020e+00, v13  }
0xa2: {  	(erf) = vpow2.f32 v6  }
0xa3: {  	v3 =	vsub.f32 v3, v1;
	v5 =	vmul.f32 $1.442695020e+00, v5;
	(erf) = vpow2.f32 v13;
	_ =	sdelay $0x1  }
0xa4: {  	v3 =	vmul.f32 $1.442695020e+00, v3;
	(erf) = vpow2.f32 v5;
	v5 =	vsub.f32 v9, v1;
	_ =	sdelay $0x1  }
0xa5: {  	(erf) = vpow2.f32 v3;
	v3 =	vmul.f32 $1.442695020e+00, v5;
	v5 =	vsub.f32 v10, v1;
	_ =	sdelay $0x1  }
0xa6: {  	(erf) = vpow2.f32 v3;
	v3 =	vmul.f32 $1.442695020e+00, v5;
	v5 =	vsub.f32 v8, v1;
	_ =	sdelay $0x1  }
0xa7: {  	v6 =	vpop (erf);
	(erf) = vpow2.f32 v3;
	v3 =	vmul.f32 $1.442695020e+00, v5;
	v5 =	vsub.f32 v11, v1  }
0xa8: {  	v8 =	vpop (erf)  }
0xa9: {  	(erf) = vpow2.f32 v3;
	v3 =	vmul.f32 $1.442695020e+00, v5;
	v5 =	vadd.f32 v8, v6  }
0xaa: {  	v2 =	vsub.f32 v2, v1;
	v9 =	vpop (erf)  }
0xab: {  	v5 =	vadd.f32 v5, v9  }
0xac: {  	v2 =	vmul.f32 $1.442695020e+00, v2;
	v10 =	vpop (erf);
	(erf) = vpow2.f32 v3;
	v3 =	vsub.f32 v12, v1  }
0xad: {  	v5 =	vadd.f32 v5, v10  }
0xae: {  	(erf) = vpow2.f32 v2;
	v2 =	vmul.f32 $1.442695020e+00, v3;
	v3 =	vsub.f32 v7, v1  }
0xaf: {  	v11 =	vsub.f32 v14, v1;
	v7 =	vpop (erf)  }
0xb0: {  	(erf) = vpow2.f32 v2;
	v2 =	vmul.f32 $1.442695020e+00, v3;
	v3 =	vadd.f32 v5, v7  }
0xb1: {  	v11 =	vmul.f32 $1.442695020e+00, v11;
	v5 =	vpop (erf)  }
0xb2: {  	(erf) = vpow2.f32 v2;
	v2 =	vsub.f32 v4, v1;
	v3 =	vadd.f32 v3, v5  }
0xb3: {  	v4 =	vsub.f32 v15, v1;
	v12 =	vpop (erf)  }
0xb4: {  	(erf) = vpow2.f32 v11;
	v2 =	vmul.f32 $1.442695020e+00, v2;
	v3 =	vadd.f32 v3, v12  }
0xb5: {  	v13 =	vsub.f32 v16, v1;
	v11 =	vpop (erf)  }
0xb6: {  	(erf) = vpow2.f32 v2;
	v2 =	vmul.f32 $1.442695020e+00, v4;
	v3 =	vadd.f32 v3, v11  }
0xb7: {  	v14 =	vpop (erf);
	v4 =	vmul.f32 $1.442695020e+00, v13  }
0xb8: {  	(erf) = vpow2.f32 v2;
	v2 =	vsub.f32 v17, v1;
	v3 =	vadd.f32 v3, v14  }
0xb9: {  	v13 =	vpop (erf);
	(erf) = vpow2.f32 v4  }
0xba: {  	v4 =	vsub.f32 v18, v1;
	v2 =	vmul.f32 $1.442695020e+00, v2;
	v3 =	vadd.f32 v3, v13  }
0xbb: {  	v16 =	vsub.f32 v19, v1;
	v15 =	vpop (erf)  }
0xbc: {  	(erf) = vpow2.f32 v2;
	v2 =	vmul.f32 $1.442695020e+00, v4;
	v3 =	vadd.f32 v3, v15  }
0xbd: {  	v17 =	vpop (erf);
	v4 =	vmul.f32 $1.442695020e+00, v16  }
0xbe: {  	(erf) = vpow2.f32 v2;
	v2 =	vsub.f32 v20, v1;
	v3 =	vadd.f32 v3, v17  }
0xbf: {  	v0 =	vsub.f32 v0, v1;
	v16 =	vpop (erf)  }
0xc0: {  	(erf) = vpow2.f32 v4;
	v2 =	vmul.f32 $1.442695020e+00, v2;
	v1 =	vadd.f32 v3, v16  }
0xc1: {  	v18 =	vpop (erf)  }
0xc2: {  	v0 =	vmul.f32 $1.442695020e+00, v0;
	(erf) = vpow2.f32 v2;
	v1 =	vadd.f32 v1, v18  }
0xc3: {  	v19 =	vpop (erf)  }
0xc4: {  	(erf) = vpow2.f32 v0;
	v0 =	vadd.f32 v1, v19  }
0xc5: {  	v20 =	vpop (erf)  }
0xc6: {  	v0 =	vadd.f32 v0, v20  }
0xc7: {  	v21 =	vpop (erf)  }
0xc8: {  	v0 =	vadd.f32 v0, v21  }
0xc9: {  	v22 =	vpop (erf)  }
0xca: {  	v0 =	vadd.f32 v0, v22  }
0xcb: {  	v23 =	vpop (erf)  }
0xcc: {  	v0 =	vadd.f32 v0, v23  }
0xcd: {  	v56 =	vpop (erf)  }
0xce: {  	v0 =	vadd.f32 v0, v56;
	_ =	sdelay $0x1  }
0xcf: {  	(erf) = vrcp.f32 v0;
	_ =	sdelay $0x1  }
0xd0: {  	s5 =	simm.s32 $0x0  }
0xd1: {  	s1 =	sand.u32 $0x1C00, s5  }
0xd2: {  	s21 =	sor.u32 s29, s1;
	s0 =	sand.u32 $0x70, s5  }
0xd3: {  	s2 =	sadd.s32 s0, s21  }
0xd4: {  	v4 =	vld [tilespmem:s2+$0x80]  }
0xd5: {  	s22 =	sadd.s32 s1, s6;
	v3 =	vld [tilespmem:s2+$0x0]  }
0xd6: {  	s3 =	sadd.s32 s0, s22  }
0xd7: {  	s23 =	sadd.s32 s1, s7;
	v58 =	vld [tilespmem:s3+$0x0];
	v57 =	vpop (erf)  }
0xd8: {  	s3 =	sadd.s32 s0, s23;
	v1 =	vmul.f32 v57, v6;
	v2 =	vmul.f32 v57, v8  }
0xd9: {  	s24 =	sadd.s32 s1, s8;
	v0 =	vmul.f32 v57, v9;
	v6 =	vld [tilespmem:s3+$0x0]  }
0xda: {  	s3 =	sadd.s32 s0, s24;
	v8 =	vmul.f32 v3, v1;
	v4 =	vmul.f32 v4, v2  }
0xdb: {  	s25 =	sadd.s32 s1, s9;
	v9 =	vld [tilespmem:s3+$0x0]  }
0xdc: {  	s3 =	sadd.s32 s0, s25;
	v3 =	vmul.f32 v57, v10;
	v10 =	vmul.f32 v58, v0;
	v8 =	vadd.f32 v4, v8  }
0xdd: {  	s26 =	sadd.s32 s1, s10;
	v59 =	vld [tilespmem:s3+$0x0]  }
0xde: {  	s3 =	sadd.s32 s0, s26;
	v4 =	vmul.f32 v57, v7;
	v6 =	vmul.f32 v6, v3;
	v7 =	vadd.f32 v10, v8  }
0xdf: {  	s28 =	sadd.s32 s1, s11;
	v8 =	vld [tilespmem:s3+$0x0]  }
0xe0: {  	v5 =	vmul.f32 v57, v5;
	v9 =	vmul.f32 v9, v4;
	s3 =	sadd.s32 s0, s28;
	v7 =	vadd.f32 v6, v7  }
0xe1: {  	v10 =	vld [tilespmem:s3+$0x0]  }
0xe2: {  	v6 =	vmul.f32 v57, v12;
	v12 =	vmul.f32 v59, v5;
	v9 =	vadd.f32 v9, v7  }
0xe3: {  	s4 =	sor.u32 s12, s1;
	v60 =	vld [tilespmem:s2+$0x2000]  }
0xe4: {  	s3 =	sadd.s32 s0, s4;
	v7 =	vmul.f32 v57, v11;
	v11 =	vmul.f32 v8, v6;
	v9 =	vadd.f32 v12, v9  }
0xe5: {  	s5 =	sadd.s32 s1, s13;
	v12 =	vld [tilespmem:s3+$0x2080]  }
0xe6: {  	s4 =	sadd.s32 s0, s5;
	v8 =	vmul.f32 v57, v14;
	v10 =	vmul.f32 v10, v7;
	v11 =	vadd.f32 v11, v9  }
0xe7: {  	s21 =	sadd.s32 s1, s14;
	v14 =	vld [tilespmem:s4+$0x0]  }
0xe8: {  	s4 =	sadd.s32 s0, s21;
	v9 =	vmul.f32 v57, v13;
	v13 =	vmul.f32 v60, v8;
	v11 =	vadd.f32 v10, v11  }
0xe9: {  	s22 =	sadd.s32 s1, s15;
	v61 =	vld [tilespmem:s4+$0x0]  }
0xea: {  	s4 =	sadd.s32 s0, s22;
	v10 =	vmul.f32 v57, v15;
	v12 =	vmul.f32 v12, v9;
	v13 =	vadd.f32 v13, v11  }
0xeb: {  	s23 =	sadd.s32 s1, s18;
	v15 =	vld [tilespmem:s4+$0x0]  }
0xec: {  	s4 =	sadd.s32 s0, s23;
	v11 =	vmul.f32 v57, v17;
	v14 =	vmul.f32 v14, v10;
	v13 =	vadd.f32 v12, v13  }
0xed: {  	s24 =	sadd.s32 s1, s19;
	v17 =	vld [tilespmem:s4+$0x0]  }
0xee: {  	s4 =	sadd.s32 s0, s24;
	v12 =	vmul.f32 v57, v16;
	v16 =	vmul.f32 v61, v11;
	v14 =	vadd.f32 v14, v13  }
0xef: {  	s25 =	sadd.s32 s1, s20;
	v62 =	vld [tilespmem:s4+$0x0]  }
0xf0: {  	s4 =	sadd.s32 s0, s25;
	v13 =	vmul.f32 v57, v18;
	v14 =	vadd.f32 v16, v14;
	v16 =	vmul.f32 v15, v12  }
0xf1: {  	v18 =	vld [tilespmem:s4+$0x0]  }
0xf2: {  	v15 =	vmul.f32 v57, v19;
	v17 =	vmul.f32 v17, v13;
	v14 =	vadd.f32 v16, v14  }
0xf3: {  	v19 =	vld [tilespmem:s2+$0x4000]  }
0xf4: {  	v16 =	vmul.f32 v57, v20;
	v20 =	vmul.f32 v62, v15;
	v17 =	vadd.f32 v17, v14  }
0xf5: {  	s26 =	sadd.s32 s1, s16;
	v63 =	vld [tilespmem:s3+$0x4080]  }
0xf6: {  	s2 =	sadd.s32 s0, s26;
	v14 =	vmul.f32 v57, v21;
	v18 =	vmul.f32 v18, v16;
	v20 =	vadd.f32 v20, v17  }
0xf7: {  	s1 =	sadd.s32 s1, s17;
	v21 =	vld [tilespmem:s2+$0x0]  }
0xf8: {  	s0 =	sadd.s32 s0, s1;
	v17 =	vmul.f32 v57, v22;
	v19 =	vmul.f32 v19, v14;
	v20 =	vadd.f32 v18, v20  }
0xf9: {  	v22 =	vld [tilespmem:s0+$0x0]  }
0xfa: {  	v18 =	vmul.f32 v57, v23;
	v23 =	vmul.f32 v63, v17;
	v20 =	vadd.f32 v19, v20;
	_ =	sdelay $0x1  }
0xfb: {  	v19 =	vmul.f32 v57, v56;
	v21 =	vmul.f32 v21, v18;
	v20 =	vadd.f32 v23, v20;
	_ =	sdelay $0x1  }
0xfc: {  	v20 =	vadd.f32 v21, v20;
	v21 =	vmul.f32 v22, v19  }
0xfd: {  	s2 =	simm.s32 $0x80  }
0xfe: {  	s30 =	simm.s32 $0x8480;
	s28 =	simm.s32 $0x10;
	s31 =	sand.u32 $0x1C00, s2;
	v20 =	vadd.f32 v21, v20  }
0xff: {  	s1 =	simm.s32 $0x20;
	s0 =	sand.u32 $0x70, s28;
	s3 =	sor.u32 s29, s31  }
.LBB2_4:
0x100: {  	p0 =	sne.s32 s1, $0x3F0;
	s3 =	sadd.s32 s0, s3;
	[tilespmem:s30+$0x0] =	vst v20  }
0x101: {  	v20 =	vld [tilespmem:s3+$0x0]  }
0x102: {  	s4 =	sadd.s32 s31, s6;
	v21 =	vld [tilespmem:s3+$0x80]  }
0x103: {  	s4 =	sadd.s32 s0, s4  }
0x104: {  	v22 =	vld [tilespmem:s4+$0x0];
	s4 =	sadd.s32 s31, s7  }
0x105: {  	s4 =	sadd.s32 s0, s4  }
0x106: {  	v23 =	vld [tilespmem:s4+$0x0];
	s4 =	sadd.s32 s31, s8  }
0x107: {  	v20 =	vmul.f32 v20, v1;
	v21 =	vmul.f32 v21, v2;
	s4 =	sadd.s32 s0, s4  }
0x108: {  	v24 =	vld [tilespmem:s4+$0x0];
	s4 =	sadd.s32 s31, s9  }
0x109: {  	v20 =	vadd.f32 v21, v20;
	v21 =	vmul.f32 v22, v0;
	s4 =	sadd.s32 s0, s4  }
0x10a: {  	v22 =	vld [tilespmem:s4+$0x0];
	s4 =	sadd.s32 s31, s10  }
0x10b: {  	v20 =	vadd.f32 v21, v20;
	v21 =	vmul.f32 v23, v3;
	s4 =	sadd.s32 s0, s4  }
0x10c: {  	v23 =	vld [tilespmem:s4+$0x0];
	s4 =	sadd.s32 s31, s11  }
0x10d: {  	v20 =	vadd.f32 v21, v20;
	v21 =	vmul.f32 v24, v4;
	s4 =	sadd.s32 s0, s4  }
0x10e: {  	v24 =	vld [tilespmem:s4+$0x0]  }
0x10f: {  	v20 =	vadd.f32 v21, v20;
	v21 =	vmul.f32 v22, v5  }
0x110: {  	s4 =	sor.u32 s12, s31;
	v22 =	vld [tilespmem:s3+$0x2000]  }
0x111: {  	s4 =	sadd.s32 s0, s4;
	v20 =	vadd.f32 v21, v20;
	v21 =	vmul.f32 v23, v6  }
0x112: {  	s5 =	sadd.s32 s31, s13;
	v23 =	vld [tilespmem:s4+$0x2080]  }
0x113: {  	s5 =	sadd.s32 s0, s5;
	v20 =	vadd.f32 v21, v20;
	v21 =	vmul.f32 v24, v7  }
0x114: {  	v24 =	vld [tilespmem:s5+$0x0];
	s5 =	sadd.s32 s31, s14  }
0x115: {  	v20 =	vadd.f32 v21, v20;
	v21 =	vmul.f32 v22, v8;
	s5 =	sadd.s32 s0, s5  }
0x116: {  	v22 =	vld [tilespmem:s5+$0x0];
	s5 =	sadd.s32 s31, s15  }
0x117: {  	v20 =	vadd.f32 v21, v20;
	v21 =	vmul.f32 v23, v9;
	s5 =	sadd.s32 s0, s5  }
0x118: {  	v23 =	vld [tilespmem:s5+$0x0];
	s5 =	sadd.s32 s31, s18  }
0x119: {  	v20 =	vadd.f32 v21, v20;
	v21 =	vmul.f32 v24, v10;
	s5 =	sadd.s32 s0, s5  }
0x11a: {  	v24 =	vld [tilespmem:s5+$0x0];
	s5 =	sadd.s32 s31, s19  }
0x11b: {  	v20 =	vadd.f32 v21, v20;
	v21 =	vmul.f32 v22, v11;
	s5 =	sadd.s32 s0, s5  }
0x11c: {  	v22 =	vld [tilespmem:s5+$0x0];
	s5 =	sadd.s32 s31, s20  }
0x11d: {  	v20 =	vadd.f32 v21, v20;
	v21 =	vmul.f32 v23, v12;
	s5 =	sadd.s32 s0, s5  }
0x11e: {  	v23 =	vld [tilespmem:s5+$0x0]  }
0x11f: {  	v20 =	vadd.f32 v21, v20;
	v21 =	vmul.f32 v24, v13  }
0x120: {  	v24 =	vld [tilespmem:s3+$0x4000]  }
0x121: {  	v20 =	vadd.f32 v21, v20;
	v21 =	vmul.f32 v22, v15  }
0x122: {  	s3 =	sadd.s32 s31, s16;
	v22 =	vld [tilespmem:s4+$0x4080]  }
0x123: {  	s3 =	sadd.s32 s0, s3;
	v20 =	vadd.f32 v21, v20;
	v21 =	vmul.f32 v23, v16  }
0x124: {  	v23 =	vld [tilespmem:s3+$0x0];
	s3 =	sadd.s32 s31, s17  }
0x125: {  	v20 =	vadd.f32 v21, v20;
	v21 =	vmul.f32 v24, v14;
	s0 =	sadd.s32 s0, s3  }
0x126: {  	v24 =	vld [tilespmem:s0+$0x0]  }
0x127: {  	v20 =	vadd.f32 v21, v20;
	v21 =	vmul.f32 v22, v17;
	_ =	sdelay $0x1  }
0x128: {  	v20 =	vadd.f32 v21, v20;
	v21 =	vmul.f32 v23, v18  }
.Ltmp1:
0x129: {  	(pc) =	sbr.rel @p0 .LBB2_4-.Ltmp1, $4  }
0x12a: {  	v20 =	vadd.f32 v21, v20;
	v21 =	vmul.f32 v24, v19  }
0x12b: {  	s2 =	sadd.s32 $0x80, s2  }
0x12c: {  	s30 =	sadd.s32 $0x10, s30;
	s31 =	sand.u32 $0x1C00, s2;
	v20 =	vadd.f32 v21, v20  }
0x12d: {  	s3 =	sor.u32 s29, s31;
	s0 =	sand.u32 $0x70, s1;
	s1 =	sadd.s32 $0x10, s1  }
0x12e: {  	s1 =	sadd.s32 s0, s3;
	[tilespmem:s30+$0x0] =	vst v20  }
0x12f: {  	v20 =	vld [tilespmem:s1+$0x0]  }
0x130: {  	s2 =	sadd.s32 s31, s6;
	v21 =	vld [tilespmem:s1+$0x80]  }
0x131: {  	s2 =	sadd.s32 s0, s2  }
0x132: {  	s21 =	sadd.s32 s31, s7;
	v22 =	vld [tilespmem:s2+$0x0]  }
0x133: {  	s2 =	sadd.s32 s0, s21  }
0x134: {  	s22 =	sadd.s32 s31, s8;
	v23 =	vld [tilespmem:s2+$0x0]  }
0x135: {  	s2 =	sadd.s32 s0, s22;
	v1 =	vmul.f32 v20, v1;
	v2 =	vmul.f32 v21, v2  }
0x136: {  	s23 =	sadd.s32 s31, s9;
	v31 =	vld [tilespmem:s2+$0x0]  }
0x137: {  	s2 =	sadd.s32 s0, s23;
	v0 =	vmul.f32 v22, v0;
	v1 =	vadd.f32 v2, v1  }
0x138: {  	s24 =	sadd.s32 s31, s10;
	v32 =	vld [tilespmem:s2+$0x0]  }
0x139: {  	s2 =	sadd.s32 s0, s24;
	v33 =	vmul.f32 v23, v3;
	v0 =	vadd.f32 v0, v1  }
0x13a: {  	s25 =	sadd.s32 s31, s11;
	v34 =	vld [tilespmem:s2+$0x0]  }
0x13b: {  	s2 =	sadd.s32 s0, s25;
	v35 =	vmul.f32 v31, v4;
	v0 =	vadd.f32 v33, v0  }
0x13c: {  	v36 =	vld [tilespmem:s2+$0x0]  }
0x13d: {  	v37 =	vmul.f32 v32, v5;
	v0 =	vadd.f32 v35, v0  }
0x13e: {  	s26 =	sor.u32 s12, s31;
	v38 =	vld [tilespmem:s1+$0x2000]  }
0x13f: {  	s2 =	sadd.s32 s0, s26;
	v39 =	vmul.f32 v34, v6;
	v0 =	vadd.f32 v37, v0  }
0x140: {  	s28 =	sadd.s32 s31, s13;
	v40 =	vld [tilespmem:s2+$0x2080]  }
0x141: {  	s3 =	sadd.s32 s0, s28;
	v41 =	vmul.f32 v36, v7;
	v0 =	vadd.f32 v39, v0  }
0x142: {  	s29 =	sadd.s32 s31, s14;
	v42 =	vld [tilespmem:s3+$0x0]  }
0x143: {  	s3 =	sadd.s32 s0, s29;
	v43 =	vmul.f32 v38, v8;
	v0 =	vadd.f32 v41, v0  }
0x144: {  	s4 =	sadd.s32 s31, s15;
	v44 =	vld [tilespmem:s3+$0x0]  }
0x145: {  	s3 =	sadd.s32 s0, s4;
	v45 =	vmul.f32 v40, v9;
	v0 =	vadd.f32 v43, v0  }
0x146: {  	s5 =	sadd.s32 s31, s18;
	v46 =	vld [tilespmem:s3+$0x0]  }
0x147: {  	s3 =	sadd.s32 s0, s5;
	v47 =	vmul.f32 v42, v10;
	v0 =	vadd.f32 v45, v0  }
0x148: {  	s21 =	sadd.s32 s31, s19;
	v48 =	vld [tilespmem:s3+$0x0]  }
0x149: {  	s3 =	sadd.s32 s0, s21;
	v49 =	vmul.f32 v44, v11;
	v0 =	vadd.f32 v47, v0  }
0x14a: {  	s22 =	sadd.s32 s31, s20;
	v50 =	vld [tilespmem:s3+$0x0]  }
0x14b: {  	s3 =	sadd.s32 s0, s22;
	v51 =	vmul.f32 v46, v12;
	v0 =	vadd.f32 v49, v0  }
0x14c: {  	v52 =	vld [tilespmem:s3+$0x0]  }
0x14d: {  	v53 =	vmul.f32 v48, v13;
	v0 =	vadd.f32 v51, v0  }
0x14e: {  	v54 =	vld [tilespmem:s1+$0x4000]  }
0x14f: {  	v55 =	vmul.f32 v50, v15;
	v0 =	vadd.f32 v53, v0  }
0x150: {  	s23 =	sadd.s32 s31, s16;
	v56 =	vld [tilespmem:s2+$0x4080]  }
0x151: {  	s1 =	sadd.s32 s0, s23;
	v57 =	vmul.f32 v52, v16;
	v0 =	vadd.f32 v55, v0  }
0x152: {  	s24 =	sadd.s32 s31, s17;
	v58 =	vld [tilespmem:s1+$0x0]  }
0x153: {  	s25 =	sadd.s32 s0, s24;
	v59 =	vmul.f32 v54, v14;
	v0 =	vadd.f32 v57, v0  }
0x154: {  	v60 =	vld [tilespmem:s25+$0x0]  }
0x155: {  	v61 =	vmul.f32 v56, v17;
	v0 =	vadd.f32 v59, v0;
	_ =	sdelay $0x1  }
0x156: {  	v62 =	vmul.f32 v58, v18;
	v0 =	vadd.f32 v61, v0;
	_ =	sdelay $0x1  }
0x157: {  	v63 =	vmul.f32 v60, v19;
	v0 =	vadd.f32 v62, v0;
	_ =	sdelay $0x1  }
0x158: {  	v0 =	vadd.f32 v63, v0  }
0x159: {  	s28 =	rddreg [dreg:$0xc];
	s26 =	sadd.s32 $0x10, s30  }
0x15a: {  	s29 =	simm.s32 $0x8480;
	s4 =	simm.s32 $0x0;
	s1 =	simm.s32 $0x2;
	[tilespmem:s26+$0x0] =	vst v0  }
0x15b: {  	[hbm4b:s28+s4] =	stream.linear.scatter [tilespmem:s29], [sflag:$0x2], $0x400, $0x38;
	[tilespmem:$0x8880] =	vst v63  }
0x15c: {  	_ =	swait.ge [sflag:s1], $0x400  }
0x15d: {  	s30 =	rddreg [dreg:$0xe]  }
0x15e: {  	s31 =	rddreg [dreg:$0xd];
	s2 =	sadd.s32 $0x1, s30  }
0x15f: {  	p0 =	sne.s32 s2, s31  }
.Ltmp2:
0x160: {  	_ = 	snop;
	(pc) =	sbr.rel @p0 .LBB2_1-.Ltmp2, $3  }
0x161: {  	_ =	sdelay $0x1  }
0x162: {  	[sflag:s1] =	ssyncset.done $0x0  }
0x163: {  	[sflag:s1] =	ssyncadd.s32 $0xFFFFFC00  }
0x164: {  	_ =	sfence.sel $0x180000  }
0x165: {  	[bflag:$0x0] =	sbarrier.arrive $0xFFFF  }
0x166: {  	_ =	strace $0x90000047  }
0x167: {  	s0 =	stileid.u32;
	[bflag:$0x2] =	sbarrier.arrive $0xFFFF  }
0x168: {  	p0 =	sne.s32 s0, $0x0;
	s0 =	rddreg [dreg:$0x4]  }
0x169: {  	s0 =	sadd.s32 @!p0 $0x100000, s0  }
0x16a: {  	[sflag:s0] =	ssyncadd.tile.s32 @!p0 $0x1;
	_ =	shalt  }
.Lfunc_end2:
_tile_overlayer_lowered:
.L_overlay_start_2:
0x16b: {  	(tag) =	ssettag $0x2  }
0x16c: {  	s0 =	rddreg [dreg:$0x0];
	s2 =	stileid.u32  }
0x16d: {  	s1 =	rddreg [dreg:$0x1];
	p0 =	sne.s32 s2, $0x0  }
0x16e: {  	s3 =	rddreg [dreg:$0x2];
	[bflag:$0x3] =	sbarrier.arrive $0xFFFF;
	s2 =	simm.s32 @!p0 $0x1C02  }
0x16f: {  	[timem:s3], [sflag:s2] =	dma.local @!p0 [hbm:s0], s1  }
0x170: {  	s0 =	simm.s32 @!p0 $0x2  }
0x171: {  	_ =	swait.ge @!p0 [sflag:s0], s1  }
0x172: {  	s1 =	ssub.s32 @!p0 $0x0, s1;
	[sflag:s0] =	ssyncset.done @!p0 $0x0  }
0x173: {  	[sflag:s0] =	ssyncadd.s32 @!p0 s1  }
0x174: {  	[bflag:$0x3] =	sbarrier.arrive $0xFFFF  }
0x175: {  	_ =	shalt  }

</sc_bundles>
